<compile_context>
chip_gen: v7x
topology: tpu7x:2x2x1
jax: 0.10.2.dev20260603
libtpu: 0.0.44.dev20260713+nightly
codegen_flags: <defaults>
</compile_context>

<pallas_src>
import functools

import jax
import jax.numpy as jnp
from jax import lax
from jax.experimental import pallas as pl
from jax.experimental.pallas import tpu as pltpu
from jax.experimental.pallas import tpu_sc as plsc

HIDDEN = 64
BATCH = 16384
NUM_ROWS = 1_000_000
TAIL_START = (NUM_ROWS // 128) * 128
TC_MAX = NUM_ROWS // 128 - 1
NBUF = 8


@functools.cache
def _build_gather(batch: int, hidden: int):
    info = plsc.get_sparse_core_info()
    num_workers = info.num_cores * info.num_subcores
    b_per_w = batch // num_workers
    lab_pad = b_per_w + 32
    mesh = plsc.VectorSubcoreMesh(core_axis_name="c", subcore_axis_name="s")

    @functools.partial(
        pl.kernel,
        mesh=mesh,
        out_type=jax.ShapeDtypeStruct((hidden, batch), jnp.float32),
        scratch_types=[
            pltpu.VMEM((lab_pad,), jnp.int32),
            pltpu.VMEM((hidden, 64), jnp.float32),
            pltpu.VMEM((NBUF, hidden, 128), jnp.float32),
            pltpu.VMEM((hidden, b_per_w), jnp.float32),
            pltpu.SemaphoreType.DMA,
            pltpu.SemaphoreType.DMA,
            pltpu.SemaphoreType.DMA,
            pltpu.SemaphoreType.DMA,
            pltpu.SemaphoreType.DMA,
            pltpu.SemaphoreType.DMA,
            pltpu.SemaphoreType.DMA,
            pltpu.SemaphoreType.DMA,
        ],
        compiler_params=pltpu.CompilerParams(needs_layout_passes=False),
    )
    def gather_kernel(table_hbm, tail_hbm, idx_hbm, out_hbm, lab_v, tail_v,
                      slab_v, outb_v, *sems):
        wid = lax.axis_index("s") * info.num_cores + lax.axis_index("c")
        base = wid * b_per_w
        zeros16 = jnp.zeros((16,), jnp.int32)
        for i in range((lab_pad - b_per_w) // 16):
            lab_v[pl.ds(b_per_w + 16 * i, 16)] = zeros16
        pltpu.sync_copy(idx_hbm.at[pl.ds(base, b_per_w)],
                        lab_v.at[pl.ds(0, b_per_w)])
        pltpu.sync_copy(tail_hbm, tail_v)
        jvec = lax.iota(jnp.int32, 16)

        def issue(lab, slot):
            tc = lax.min(lax.shift_right_logical(lab, 7), TC_MAX)
            start = pl.multiple_of(tc * 128, 128)
            pltpu.async_copy(
                table_hbm.at[:, pl.ds(start, 128)], slab_v.at[slot],
                sems[slot],
            )

        def wait(slot):
            pltpu.make_async_copy(
                table_hbm.at[:, pl.ds(0, 128)], slab_v.at[slot], sems[slot]
            ).wait()

        def extract(lab, a, slot):
            avec = zeros16 + a
            is_tail = lab >= TAIL_START

            @pl.when(is_tail)
            def _():
                ctv = zeros16 + (lab - TAIL_START)
                for jc in range(hidden // 16):
                    v = plsc.load_gather(tail_v, [jvec + 16 * jc, ctv])
                    plsc.store_scatter(outb_v, [jvec + 16 * jc, avec], v)

            @pl.when(jnp.logical_not(is_tail))
            def _():
                cvec = zeros16 + (lab & 127)
                for jc in range(hidden // 16):
                    v = plsc.load_gather(
                        slab_v.at[slot], [jvec + 16 * jc, cvec]
                    )
                    plsc.store_scatter(outb_v, [jvec + 16 * jc, avec], v)

        vec0 = lab_v[pl.ds(0, 16)]
        for d in range(NBUF):
            issue(vec0[d], d)

        def group(g, carry):
            vecg = lab_v[pl.ds(g * NBUF, 16)]
            for d in range(NBUF):
                wait(d)
                extract(vecg[d], g * NBUF + d, d)
                issue(vecg[d + NBUF], d)
            return carry

        lax.fori_loop(0, b_per_w // NBUF, group, 0)
        for d in range(NBUF):
            wait(d)
        pltpu.sync_copy(outb_v, out_hbm.at[:, pl.ds(base, b_per_w)])

    return gather_kernel


def kernel(labels, train, embedding_table):
    del train
    gather = _build_gather(BATCH, HIDDEN)
    tail_t = embedding_table[TAIL_START:].T
    out_t = gather(embedding_table.T, tail_t, labels.astype(jnp.int32))
    return out_t.T

# --- scband reference (transcript-rebuilt; emitter-appended) ---
"""Pipeline reference for scband-label-embedder-7017976562402 (READ-ONLY COPY).

The authoritative reference and input builder live on the scoring server;
editing this copy changes nothing except your own understanding.
"""

import jax, jax.numpy as jnp
import numpy as np

NUM_CLASSES = 1000000
HIDDEN_SIZE = 64
BATCH = 16384


def setup_inputs(seed: int = 0) -> dict:
    key = jax.random.key(seed)
    k_lab, k_tab = jax.random.split(key)
    labels = jax.random.randint(k_lab, (BATCH,), 0, NUM_CLASSES, dtype=jnp.int64 if jax.config.jax_enable_x64 else jnp.int32)
    # dropout_prob = 0.0 -> use_cfg_embedding = False -> table has exactly NUM_CLASSES rows
    embedding_table = jax.random.normal(k_tab, (NUM_CLASSES, HIDDEN_SIZE), dtype=jnp.float32) * 0.02
    train = 0  # train=False -> no token dropout path
    return {"labels": labels, "train": train, "embedding_table": embedding_table}


def reference(labels, train, embedding_table):
    # scenario_num == 0 branch; dropout_prob == 0 so token_drop is never applied
    # (train and use_dropout) is False and force_drop_ids is None.
    embeddings = jnp.take(embedding_table, labels, axis=0)
    return embeddings

if __name__ == "__main__":
    import jax
    _d = setup_inputs()
    print(jax.jit(kernel)(*tuple(_d.values())))

</pallas_src>

<mosaic_0001>
#map = affine_map<(d0, d1) -> (0, 0)>
#map1 = affine_map<(d0, d1) -> (0)>
module attributes {stable_mosaic.version = 14 : i64} {
  func.func @gather_kernel(%arg0: i32, %arg1: i32, %arg2: memref<64x1000000xf32, #tpu.memory_space<hbm>>, %arg3: memref<64x64xf32, #tpu.memory_space<hbm>>, %arg4: memref<16384xi32, #tpu.memory_space<hbm>>, %arg5: memref<64x16384xf32, #tpu.memory_space<hbm>>, %arg6: memref<544xi32, #tpu.memory_space<vmem>>, %arg7: memref<64x64xf32, #tpu.memory_space<vmem>>, %arg8: memref<8x64x128xf32, #tpu.memory_space<vmem>>, %arg9: memref<64x512xf32, #tpu.memory_space<vmem>>, %arg10: memref<!tpu.dma_semaphore, #tpu.memory_space<semaphore_mem>>, %arg11: memref<!tpu.dma_semaphore, #tpu.memory_space<semaphore_mem>>, %arg12: memref<!tpu.dma_semaphore, #tpu.memory_space<semaphore_mem>>, %arg13: memref<!tpu.dma_semaphore, #tpu.memory_space<semaphore_mem>>, %arg14: memref<!tpu.dma_semaphore, #tpu.memory_space<semaphore_mem>>, %arg15: memref<!tpu.dma_semaphore, #tpu.memory_space<semaphore_mem>>, %arg16: memref<!tpu.dma_semaphore, #tpu.memory_space<semaphore_mem>>, %arg17: memref<!tpu.dma_semaphore, #tpu.memory_space<semaphore_mem>>) attributes {dimension_semantics = [#tpu.dimension_semantics<core_parallel>, #tpu.dimension_semantics<subcore_parallel>], iteration_bounds = array<i64: 2, 16>, scalar_prefetch = 0 : i64, scratch_operands = 12 : i64, tpu.core_type = #tpu.core_type<sc_vector_subcore>, window_params = [{transform_indices = #map}, {transform_indices = #map}, {transform_indices = #map1}, {transform_indices = #map}]} {
    %mul3A = arith.constant 2 : i32
    %mul3A_0 = arith.muli %arg1, %mul3A : i32
    %add3A = arith.addi %mul3A_0, %arg0 : i32
    %mul3A_1 = arith.constant 512 : i32
    %mul3A_2 = arith.muli %add3A, %mul3A_1 : i32
    %broadcast_in_dim3A = arith.constant 0 : i32
    %broadcast_in_dim3A_3 = vector.broadcast %broadcast_in_dim3A : i32 to vector<16xi32>
    %swap3A = arith.constant 512 : index
    %swap3A_4 = tpu.vector_load %arg6[%swap3A] {strides = array<i32>} : memref<544xi32, #tpu.memory_space<vmem>>, vector<16xi32>,
    tpu.vector_store %arg6[%swap3A], %broadcast_in_dim3A_3 {strides = array<i32>} : memref<544xi32, #tpu.memory_space<vmem>>, vector<16xi32>,
    %swap3A_5 = arith.constant 528 : index
    %swap3A_6 = tpu.vector_load %arg6[%swap3A_5] {strides = array<i32>} : memref<544xi32, #tpu.memory_space<vmem>>, vector<16xi32>,
    tpu.vector_store %arg6[%swap3A_5], %broadcast_in_dim3A_3 {strides = array<i32>} : memref<544xi32, #tpu.memory_space<vmem>>, vector<16xi32>,
    "tpu.region"() ({
      %run_scoped3A = tpu.sem_alloc : memref<!tpu.dma_semaphore, #tpu.memory_space<semaphore_mem>>
      %dma_start3A_302 = arith.constant 0 : i32
      %dma_start3A_303 = tpu.memref_slice %arg6[%dma_start3A_302] : memref<544xi32, #tpu.memory_space<vmem>> -> memref<512xi32, #tpu.memory_space<vmem>>
      %dma_start3A_304 = tpu.memref_slice %arg4[%mul3A_2] : memref<16384xi32, #tpu.memory_space<hbm>> -> memref<512xi32, #tpu.memory_space<hbm>>
      %dma_start3A_305 = arith.constant 0 : i32
      %dma_start3A_306 = tpu.memref_slice %arg6[%dma_start3A_305] : memref<544xi32, #tpu.memory_space<vmem>> -> memref<512xi32, #tpu.memory_space<vmem>>
      %dma_start3A_307 = tpu.memref_slice %arg4[%mul3A_2] : memref<16384xi32, #tpu.memory_space<hbm>> -> memref<512xi32, #tpu.memory_space<hbm>>
      tpu.enqueue_dma source(%dma_start3A_307 : memref<512xi32, #tpu.memory_space<hbm>>) target(%dma_start3A_306 : memref<512xi32, #tpu.memory_space<vmem>>) target_semaphore(%run_scoped3A : memref<!tpu.dma_semaphore, #tpu.memory_space<semaphore_mem>>)
      %dma_wait3A_308 = arith.constant 0 : i32
      %dma_wait3A_309 = tpu.memref_slice %arg6[%dma_wait3A_308] : memref<544xi32, #tpu.memory_space<vmem>> -> memref<512xi32, #tpu.memory_space<vmem>>
      %dma_wait3A_310 = tpu.memref_slice %arg4[%mul3A_2] : memref<16384xi32, #tpu.memory_space<hbm>> -> memref<512xi32, #tpu.memory_space<hbm>>
      %dma_wait3A_311 = arith.constant 0 : i32
      %dma_wait3A_312 = tpu.memref_slice %arg6[%dma_wait3A_311] : memref<544xi32, #tpu.memory_space<vmem>> -> memref<512xi32, #tpu.memory_space<vmem>>
      %dma_wait3A_313 = tpu.memref_slice %arg4[%mul3A_2] : memref<16384xi32, #tpu.memory_space<hbm>> -> memref<512xi32, #tpu.memory_space<hbm>>
      tpu.wait_dma2 semaphore(%run_scoped3A : memref<!tpu.dma_semaphore, #tpu.memory_space<semaphore_mem>>) src(%dma_wait3A_313 : memref<512xi32, #tpu.memory_space<hbm>>) dst(%dma_wait3A_312 : memref<512xi32, #tpu.memory_space<vmem>>)
      tpu.yield
    }) : () -> ()
    "tpu.region"() ({
      %run_scoped3A = tpu.sem_alloc : memref<!tpu.dma_semaphore, #tpu.memory_space<semaphore_mem>>
      tpu.enqueue_dma source(%arg3 : memref<64x64xf32, #tpu.memory_space<hbm>>) target(%arg7 : memref<64x64xf32, #tpu.memory_space<vmem>>) target_semaphore(%run_scoped3A : memref<!tpu.dma_semaphore, #tpu.memory_space<semaphore_mem>>)
      tpu.wait_dma2 semaphore(%run_scoped3A : memref<!tpu.dma_semaphore, #tpu.memory_space<semaphore_mem>>) src(%arg3 : memref<64x64xf32, #tpu.memory_space<hbm>>) dst(%arg7 : memref<64x64xf32, #tpu.memory_space<vmem>>)
      tpu.yield
    }) : () -> ()
    %iota3A = tpu.iota {dimensions = array<i32: 0>} : vector<16xi32>
    %get3A = arith.constant 0 : index
    %get3A_7 = tpu.vector_load %arg6[%get3A] {strides = array<i32>} : memref<544xi32, #tpu.memory_space<vmem>>, vector<16xi32>,
    %slice3A = vector.extract_strided_slice %get3A_7 {offsets = [0], sizes = [1], strides = [1]} : vector<16xi32> to vector<1xi32>
    %squeeze3A = vector.extract %slice3A[0] : i32 from vector<1xi32>
    %shift_right_logical3A = arith.constant 7 : i32
    %shift_right_logical3A_8 = arith.shrui %squeeze3A, %shift_right_logical3A : i32
    %min3A = arith.constant 7811 : i32
    %min3A_9 = arith.minsi %shift_right_logical3A_8, %min3A : i32
    %mul3A_10 = arith.constant 128 : i32
    %mul3A_11 = arith.muli %min3A_9, %mul3A_10 : i32
    %multiple_of3A = tpu.assume_multiple %mul3A_11, 128 : i32
    %dma_start3A = arith.constant 0 : i32
    %dma_start3A_12 = arith.constant 0 : i32
    %dma_start3A_13 = arith.constant 0 : i32
    %dma_start3A_14 = tpu.memref_slice %arg8[%dma_start3A, %dma_start3A_12, %dma_start3A_13] : memref<8x64x128xf32, #tpu.memory_space<vmem>> -> memref<1x64x128xf32, #tpu.memory_space<vmem>>
    %dma_start3A_15 = tpu.memref_squeeze %dma_start3A_14 : memref<1x64x128xf32, #tpu.memory_space<vmem>> -> memref<64x128xf32, #tpu.memory_space<vmem>>
    %dma_start3A_16 = arith.constant 0 : i32
    %dma_start3A_17 = tpu.memref_slice %arg2[%dma_start3A_16, %multiple_of3A] : memref<64x1000000xf32, #tpu.memory_space<hbm>> -> memref<64x128xf32, #tpu.memory_space<hbm>>
    %dma_start3A_18 = arith.constant 0 : i32
    %dma_start3A_19 = arith.constant 0 : i32
    %dma_start3A_20 = tpu.memref_slice %arg8[%dma_start3A, %dma_start3A_18, %dma_start3A_19] : memref<8x64x128xf32, #tpu.memory_space<vmem>> -> memref<1x64x128xf32, #tpu.memory_space<vmem>>
    %dma_start3A_21 = tpu.memref_squeeze %dma_start3A_20 : memref<1x64x128xf32, #tpu.memory_space<vmem>> -> memref<64x128xf32, #tpu.memory_space<vmem>>
    %dma_start3A_22 = arith.constant 0 : i32
    %dma_start3A_23 = tpu.memref_slice %arg2[%dma_start3A_22, %multiple_of3A] : memref<64x1000000xf32, #tpu.memory_space<hbm>> -> memref<64x128xf32, #tpu.memory_space<hbm>>
    tpu.enqueue_dma source(%dma_start3A_23 : memref<64x128xf32, #tpu.memory_space<hbm>>) target(%dma_start3A_21 : memref<64x128xf32, #tpu.memory_space<vmem>>) target_semaphore(%arg10 : memref<!tpu.dma_semaphore, #tpu.memory_space<semaphore_mem>>)
    %slice3A_24 = vector.extract_strided_slice %get3A_7 {offsets = [1], sizes = [1], strides = [1]} : vector<16xi32> to vector<1xi32>
    %squeeze3A_25 = vector.extract %slice3A_24[0] : i32 from vector<1xi32>
    %shift_right_logical3A_26 = arith.constant 7 : i32
    %shift_right_logical3A_27 = arith.shrui %squeeze3A_25, %shift_right_logical3A_26 : i32
    %min3A_28 = arith.constant 7811 : i32
    %min3A_29 = arith.minsi %shift_right_logical3A_27, %min3A_28 : i32
    %mul3A_30 = arith.constant 128 : i32
    %mul3A_31 = arith.muli %min3A_29, %mul3A_30 : i32
    %multiple_of3A_32 = tpu.assume_multiple %mul3A_31, 128 : i32
    %dma_start3A_33 = arith.constant 1 : i32
    %dma_start3A_34 = arith.constant 0 : i32
    %dma_start3A_35 = arith.constant 0 : i32
    %dma_start3A_36 = tpu.memref_slice %arg8[%dma_start3A_33, %dma_start3A_34, %dma_start3A_35] : memref<8x64x128xf32, #tpu.memory_space<vmem>> -> memref<1x64x128xf32, #tpu.memory_space<vmem>>
    %dma_start3A_37 = tpu.memref_squeeze %dma_start3A_36 : memref<1x64x128xf32, #tpu.memory_space<vmem>> -> memref<64x128xf32, #tpu.memory_space<vmem>>
    %dma_start3A_38 = arith.constant 0 : i32
    %dma_start3A_39 = tpu.memref_slice %arg2[%dma_start3A_38, %multiple_of3A_32] : memref<64x1000000xf32, #tpu.memory_space<hbm>> -> memref<64x128xf32, #tpu.memory_space<hbm>>
    %dma_start3A_40 = arith.constant 0 : i32
    %dma_start3A_41 = arith.constant 0 : i32
    %dma_start3A_42 = tpu.memref_slice %arg8[%dma_start3A_33, %dma_start3A_40, %dma_start3A_41] : memref<8x64x128xf32, #tpu.memory_space<vmem>> -> memref<1x64x128xf32, #tpu.memory_space<vmem>>
    %dma_start3A_43 = tpu.memref_squeeze %dma_start3A_42 : memref<1x64x128xf32, #tpu.memory_space<vmem>> -> memref<64x128xf32, #tpu.memory_space<vmem>>
    %dma_start3A_44 = arith.constant 0 : i32
    %dma_start3A_45 = tpu.memref_slice %arg2[%dma_start3A_44, %multiple_of3A_32] : memref<64x1000000xf32, #tpu.memory_space<hbm>> -> memref<64x128xf32, #tpu.memory_space<hbm>>
    tpu.enqueue_dma source(%dma_start3A_45 : memref<64x128xf32, #tpu.memory_space<hbm>>) target(%dma_start3A_43 : memref<64x128xf32, #tpu.memory_space<vmem>>) target_semaphore(%arg11 : memref<!tpu.dma_semaphore, #tpu.memory_space<semaphore_mem>>)
    %slice3A_46 = vector.extract_strided_slice %get3A_7 {offsets = [2], sizes = [1], strides = [1]} : vector<16xi32> to vector<1xi32>
    %squeeze3A_47 = vector.extract %slice3A_46[0] : i32 from vector<1xi32>
    %shift_right_logical3A_48 = arith.constant 7 : i32
    %shift_right_logical3A_49 = arith.shrui %squeeze3A_47, %shift_right_logical3A_48 : i32
    %min3A_50 = arith.constant 7811 : i32
    %min3A_51 = arith.minsi %shift_right_logical3A_49, %min3A_50 : i32
    %mul3A_52 = arith.constant 128 : i32
    %mul3A_53 = arith.muli %min3A_51, %mul3A_52 : i32
    %multiple_of3A_54 = tpu.assume_multiple %mul3A_53, 128 : i32
    %dma_start3A_55 = arith.constant 2 : i32
    %dma_start3A_56 = arith.constant 0 : i32
    %dma_start3A_57 = arith.constant 0 : i32
    %dma_start3A_58 = tpu.memref_slice %arg8[%dma_start3A_55, %dma_start3A_56, %dma_start3A_57] : memref<8x64x128xf32, #tpu.memory_space<vmem>> -> memref<1x64x128xf32, #tpu.memory_space<vmem>>
    %dma_start3A_59 = tpu.memref_squeeze %dma_start3A_58 : memref<1x64x128xf32, #tpu.memory_space<vmem>> -> memref<64x128xf32, #tpu.memory_space<vmem>>
    %dma_start3A_60 = arith.constant 0 : i32
    %dma_start3A_61 = tpu.memref_slice %arg2[%dma_start3A_60, %multiple_of3A_54] : memref<64x1000000xf32, #tpu.memory_space<hbm>> -> memref<64x128xf32, #tpu.memory_space<hbm>>
    %dma_start3A_62 = arith.constant 0 : i32
    %dma_start3A_63 = arith.constant 0 : i32
    %dma_start3A_64 = tpu.memref_slice %arg8[%dma_start3A_55, %dma_start3A_62, %dma_start3A_63] : memref<8x64x128xf32, #tpu.memory_space<vmem>> -> memref<1x64x128xf32, #tpu.memory_space<vmem>>
    %dma_start3A_65 = tpu.memref_squeeze %dma_start3A_64 : memref<1x64x128xf32, #tpu.memory_space<vmem>> -> memref<64x128xf32, #tpu.memory_space<vmem>>
    %dma_start3A_66 = arith.constant 0 : i32
    %dma_start3A_67 = tpu.memref_slice %arg2[%dma_start3A_66, %multiple_of3A_54] : memref<64x1000000xf32, #tpu.memory_space<hbm>> -> memref<64x128xf32, #tpu.memory_space<hbm>>
    tpu.enqueue_dma source(%dma_start3A_67 : memref<64x128xf32, #tpu.memory_space<hbm>>) target(%dma_start3A_65 : memref<64x128xf32, #tpu.memory_space<vmem>>) target_semaphore(%arg12 : memref<!tpu.dma_semaphore, #tpu.memory_space<semaphore_mem>>)
    %slice3A_68 = vector.extract_strided_slice %get3A_7 {offsets = [3], sizes = [1], strides = [1]} : vector<16xi32> to vector<1xi32>
    %squeeze3A_69 = vector.extract %slice3A_68[0] : i32 from vector<1xi32>
    %shift_right_logical3A_70 = arith.constant 7 : i32
    %shift_right_logical3A_71 = arith.shrui %squeeze3A_69, %shift_right_logical3A_70 : i32
    %min3A_72 = arith.constant 7811 : i32
    %min3A_73 = arith.minsi %shift_right_logical3A_71, %min3A_72 : i32
    %mul3A_74 = arith.constant 128 : i32
    %mul3A_75 = arith.muli %min3A_73, %mul3A_74 : i32
    %multiple_of3A_76 = tpu.assume_multiple %mul3A_75, 128 : i32
    %dma_start3A_77 = arith.constant 3 : i32
    %dma_start3A_78 = arith.constant 0 : i32
    %dma_start3A_79 = arith.constant 0 : i32
    %dma_start3A_80 = tpu.memref_slice %arg8[%dma_start3A_77, %dma_start3A_78, %dma_start3A_79] : memref<8x64x128xf32, #tpu.memory_space<vmem>> -> memref<1x64x128xf32, #tpu.memory_space<vmem>>
    %dma_start3A_81 = tpu.memref_squeeze %dma_start3A_80 : memref<1x64x128xf32, #tpu.memory_space<vmem>> -> memref<64x128xf32, #tpu.memory_space<vmem>>
    %dma_start3A_82 = arith.constant 0 : i32
    %dma_start3A_83 = tpu.memref_slice %arg2[%dma_start3A_82, %multiple_of3A_76] : memref<64x1000000xf32, #tpu.memory_space<hbm>> -> memref<64x128xf32, #tpu.memory_space<hbm>>
    %dma_start3A_84 = arith.constant 0 : i32
    %dma_start3A_85 = arith.constant 0 : i32
    %dma_start3A_86 = tpu.memref_slice %arg8[%dma_start3A_77, %dma_start3A_84, %dma_start3A_85] : memref<8x64x128xf32, #tpu.memory_space<vmem>> -> memref<1x64x128xf32, #tpu.memory_space<vmem>>
    %dma_start3A_87 = tpu.memref_squeeze %dma_start3A_86 : memref<1x64x128xf32, #tpu.memory_space<vmem>> -> memref<64x128xf32, #tpu.memory_space<vmem>>
    %dma_start3A_88 = arith.constant 0 : i32
    %dma_start3A_89 = tpu.memref_slice %arg2[%dma_start3A_88, %multiple_of3A_76] : memref<64x1000000xf32, #tpu.memory_space<hbm>> -> memref<64x128xf32, #tpu.memory_space<hbm>>
    tpu.enqueue_dma source(%dma_start3A_89 : memref<64x128xf32, #tpu.memory_space<hbm>>) target(%dma_start3A_87 : memref<64x128xf32, #tpu.memory_space<vmem>>) target_semaphore(%arg13 : memref<!tpu.dma_semaphore, #tpu.memory_space<semaphore_mem>>)
    %slice3A_90 = vector.extract_strided_slice %get3A_7 {offsets = [4], sizes = [1], strides = [1]} : vector<16xi32> to vector<1xi32>
    %squeeze3A_91 = vector.extract %slice3A_90[0] : i32 from vector<1xi32>
    %shift_right_logical3A_92 = arith.constant 7 : i32
    %shift_right_logical3A_93 = arith.shrui %squeeze3A_91, %shift_right_logical3A_92 : i32
    %min3A_94 = arith.constant 7811 : i32
    %min3A_95 = arith.minsi %shift_right_logical3A_93, %min3A_94 : i32
    %mul3A_96 = arith.constant 128 : i32
    %mul3A_97 = arith.muli %min3A_95, %mul3A_96 : i32
    %multiple_of3A_98 = tpu.assume_multiple %mul3A_97, 128 : i32
    %dma_start3A_99 = arith.constant 4 : i32
    %dma_start3A_100 = arith.constant 0 : i32
    %dma_start3A_101 = arith.constant 0 : i32
    %dma_start3A_102 = tpu.memref_slice %arg8[%dma_start3A_99, %dma_start3A_100, %dma_start3A_101] : memref<8x64x128xf32, #tpu.memory_space<vmem>> -> memref<1x64x128xf32, #tpu.memory_space<vmem>>
    %dma_start3A_103 = tpu.memref_squeeze %dma_start3A_102 : memref<1x64x128xf32, #tpu.memory_space<vmem>> -> memref<64x128xf32, #tpu.memory_space<vmem>>
    %dma_start3A_104 = arith.constant 0 : i32
    %dma_start3A_105 = tpu.memref_slice %arg2[%dma_start3A_104, %multiple_of3A_98] : memref<64x1000000xf32, #tpu.memory_space<hbm>> -> memref<64x128xf32, #tpu.memory_space<hbm>>
    %dma_start3A_106 = arith.constant 0 : i32
    %dma_start3A_107 = arith.constant 0 : i32
    %dma_start3A_108 = tpu.memref_slice %arg8[%dma_start3A_99, %dma_start3A_106, %dma_start3A_107] : memref<8x64x128xf32, #tpu.memory_space<vmem>> -> memref<1x64x128xf32, #tpu.memory_space<vmem>>
    %dma_start3A_109 = tpu.memref_squeeze %dma_start3A_108 : memref<1x64x128xf32, #tpu.memory_space<vmem>> -> memref<64x128xf32, #tpu.memory_space<vmem>>
    %dma_start3A_110 = arith.constant 0 : i32
    %dma_start3A_111 = tpu.memref_slice %arg2[%dma_start3A_110, %multiple_of3A_98] : memref<64x1000000xf32, #tpu.memory_space<hbm>> -> memref<64x128xf32, #tpu.memory_space<hbm>>
    tpu.enqueue_dma source(%dma_start3A_111 : memref<64x128xf32, #tpu.memory_space<hbm>>) target(%dma_start3A_109 : memref<64x128xf32, #tpu.memory_space<vmem>>) target_semaphore(%arg14 : memref<!tpu.dma_semaphore, #tpu.memory_space<semaphore_mem>>)
    %slice3A_112 = vector.extract_strided_slice %get3A_7 {offsets = [5], sizes = [1], strides = [1]} : vector<16xi32> to vector<1xi32>
    %squeeze3A_113 = vector.extract %slice3A_112[0] : i32 from vector<1xi32>
    %shift_right_logical3A_114 = arith.constant 7 : i32
    %shift_right_logical3A_115 = arith.shrui %squeeze3A_113, %shift_right_logical3A_114 : i32
    %min3A_116 = arith.constant 7811 : i32
    %min3A_117 = arith.minsi %shift_right_logical3A_115, %min3A_116 : i32
    %mul3A_118 = arith.constant 128 : i32
    %mul3A_119 = arith.muli %min3A_117, %mul3A_118 : i32
    %multiple_of3A_120 = tpu.assume_multiple %mul3A_119, 128 : i32
    %dma_start3A_121 = arith.constant 5 : i32
    %dma_start3A_122 = arith.constant 0 : i32
    %dma_start3A_123 = arith.constant 0 : i32
    %dma_start3A_124 = tpu.memref_slice %arg8[%dma_start3A_121, %dma_start3A_122, %dma_start3A_123] : memref<8x64x128xf32, #tpu.memory_space<vmem>> -> memref<1x64x128xf32, #tpu.memory_space<vmem>>
    %dma_start3A_125 = tpu.memref_squeeze %dma_start3A_124 : memref<1x64x128xf32, #tpu.memory_space<vmem>> -> memref<64x128xf32, #tpu.memory_space<vmem>>
    %dma_start3A_126 = arith.constant 0 : i32
    %dma_start3A_127 = tpu.memref_slice %arg2[%dma_start3A_126, %multiple_of3A_120] : memref<64x1000000xf32, #tpu.memory_space<hbm>> -> memref<64x128xf32, #tpu.memory_space<hbm>>
    %dma_start3A_128 = arith.constant 0 : i32
    %dma_start3A_129 = arith.constant 0 : i32
    %dma_start3A_130 = tpu.memref_slice %arg8[%dma_start3A_121, %dma_start3A_128, %dma_start3A_129] : memref<8x64x128xf32, #tpu.memory_space<vmem>> -> memref<1x64x128xf32, #tpu.memory_space<vmem>>
    %dma_start3A_131 = tpu.memref_squeeze %dma_start3A_130 : memref<1x64x128xf32, #tpu.memory_space<vmem>> -> memref<64x128xf32, #tpu.memory_space<vmem>>
    %dma_start3A_132 = arith.constant 0 : i32
    %dma_start3A_133 = tpu.memref_slice %arg2[%dma_start3A_132, %multiple_of3A_120] : memref<64x1000000xf32, #tpu.memory_space<hbm>> -> memref<64x128xf32, #tpu.memory_space<hbm>>
    tpu.enqueue_dma source(%dma_start3A_133 : memref<64x128xf32, #tpu.memory_space<hbm>>) target(%dma_start3A_131 : memref<64x128xf32, #tpu.memory_space<vmem>>) target_semaphore(%arg15 : memref<!tpu.dma_semaphore, #tpu.memory_space<semaphore_mem>>)
    %slice3A_134 = vector.extract_strided_slice %get3A_7 {offsets = [6], sizes = [1], strides = [1]} : vector<16xi32> to vector<1xi32>
    %squeeze3A_135 = vector.extract %slice3A_134[0] : i32 from vector<1xi32>
    %shift_right_logical3A_136 = arith.constant 7 : i32
    %shift_right_logical3A_137 = arith.shrui %squeeze3A_135, %shift_right_logical3A_136 : i32
    %min3A_138 = arith.constant 7811 : i32
    %min3A_139 = arith.minsi %shift_right_logical3A_137, %min3A_138 : i32
    %mul3A_140 = arith.constant 128 : i32
    %mul3A_141 = arith.muli %min3A_139, %mul3A_140 : i32
    %multiple_of3A_142 = tpu.assume_multiple %mul3A_141, 128 : i32
    %dma_start3A_143 = arith.constant 6 : i32
    %dma_start3A_144 = arith.constant 0 : i32
    %dma_start3A_145 = arith.constant 0 : i32
    %dma_start3A_146 = tpu.memref_slice %arg8[%dma_start3A_143, %dma_start3A_144, %dma_start3A_145] : memref<8x64x128xf32, #tpu.memory_space<vmem>> -> memref<1x64x128xf32, #tpu.memory_space<vmem>>
    %dma_start3A_147 = tpu.memref_squeeze %dma_start3A_146 : memref<1x64x128xf32, #tpu.memory_space<vmem>> -> memref<64x128xf32, #tpu.memory_space<vmem>>
    %dma_start3A_148 = arith.constant 0 : i32
    %dma_start3A_149 = tpu.memref_slice %arg2[%dma_start3A_148, %multiple_of3A_142] : memref<64x1000000xf32, #tpu.memory_space<hbm>> -> memref<64x128xf32, #tpu.memory_space<hbm>>
    %dma_start3A_150 = arith.constant 0 : i32
    %dma_start3A_151 = arith.constant 0 : i32
    %dma_start3A_152 = tpu.memref_slice %arg8[%dma_start3A_143, %dma_start3A_150, %dma_start3A_151] : memref<8x64x128xf32, #tpu.memory_space<vmem>> -> memref<1x64x128xf32, #tpu.memory_space<vmem>>
    %dma_start3A_153 = tpu.memref_squeeze %dma_start3A_152 : memref<1x64x128xf32, #tpu.memory_space<vmem>> -> memref<64x128xf32, #tpu.memory_space<vmem>>
    %dma_start3A_154 = arith.constant 0 : i32
    %dma_start3A_155 = tpu.memref_slice %arg2[%dma_start3A_154, %multiple_of3A_142] : memref<64x1000000xf32, #tpu.memory_space<hbm>> -> memref<64x128xf32, #tpu.memory_space<hbm>>
    tpu.enqueue_dma source(%dma_start3A_155 : memref<64x128xf32, #tpu.memory_space<hbm>>) target(%dma_start3A_153 : memref<64x128xf32, #tpu.memory_space<vmem>>) target_semaphore(%arg16 : memref<!tpu.dma_semaphore, #tpu.memory_space<semaphore_mem>>)
    %slice3A_156 = vector.extract_strided_slice %get3A_7 {offsets = [7], sizes = [1], strides = [1]} : vector<16xi32> to vector<1xi32>
    %squeeze3A_157 = vector.extract %slice3A_156[0] : i32 from vector<1xi32>
    %shift_right_logical3A_158 = arith.constant 7 : i32
    %shift_right_logical3A_159 = arith.shrui %squeeze3A_157, %shift_right_logical3A_158 : i32
    %min3A_160 = arith.constant 7811 : i32
    %min3A_161 = arith.minsi %shift_right_logical3A_159, %min3A_160 : i32
    %mul3A_162 = arith.constant 128 : i32
    %mul3A_163 = arith.muli %min3A_161, %mul3A_162 : i32
    %multiple_of3A_164 = tpu.assume_multiple %mul3A_163, 128 : i32
    %dma_start3A_165 = arith.constant 7 : i32
    %dma_start3A_166 = arith.constant 0 : i32
    %dma_start3A_167 = arith.constant 0 : i32
    %dma_start3A_168 = tpu.memref_slice %arg8[%dma_start3A_165, %dma_start3A_166, %dma_start3A_167] : memref<8x64x128xf32, #tpu.memory_space<vmem>> -> memref<1x64x128xf32, #tpu.memory_space<vmem>>
    %dma_start3A_169 = tpu.memref_squeeze %dma_start3A_168 : memref<1x64x128xf32, #tpu.memory_space<vmem>> -> memref<64x128xf32, #tpu.memory_space<vmem>>
    %dma_start3A_170 = arith.constant 0 : i32
    %dma_start3A_171 = tpu.memref_slice %arg2[%dma_start3A_170, %multiple_of3A_164] : memref<64x1000000xf32, #tpu.memory_space<hbm>> -> memref<64x128xf32, #tpu.memory_space<hbm>>
    %dma_start3A_172 = arith.constant 0 : i32
    %dma_start3A_173 = arith.constant 0 : i32
    %dma_start3A_174 = tpu.memref_slice %arg8[%dma_start3A_165, %dma_start3A_172, %dma_start3A_173] : memref<8x64x128xf32, #tpu.memory_space<vmem>> -> memref<1x64x128xf32, #tpu.memory_space<vmem>>
    %dma_start3A_175 = tpu.memref_squeeze %dma_start3A_174 : memref<1x64x128xf32, #tpu.memory_space<vmem>> -> memref<64x128xf32, #tpu.memory_space<vmem>>
    %dma_start3A_176 = arith.constant 0 : i32
    %dma_start3A_177 = tpu.memref_slice %arg2[%dma_start3A_176, %multiple_of3A_164] : memref<64x1000000xf32, #tpu.memory_space<hbm>> -> memref<64x128xf32, #tpu.memory_space<hbm>>
    tpu.enqueue_dma source(%dma_start3A_177 : memref<64x128xf32, #tpu.memory_space<hbm>>) target(%dma_start3A_175 : memref<64x128xf32, #tpu.memory_space<vmem>>) target_semaphore(%arg17 : memref<!tpu.dma_semaphore, #tpu.memory_space<semaphore_mem>>)
    %scan3A = arith.constant 0 : i32
    %scan3A_178 = arith.constant 0 : i32
    %scan3A_179 = arith.constant 64 : i32
    %scan3A_180 = arith.addi %scan3A_178, %scan3A_179 : i32
    %scan3A_181 = arith.constant 1 : i32
    scf.for %scan3A_302 = %scan3A_178 to %scan3A_180 step %scan3A_181  : i32 {
      %mul3A_303 = arith.constant 8 : i32
      %mul3A_304 = arith.muli %scan3A_302, %mul3A_303 : i32
      %get3A_305 = arith.index_cast %mul3A_304 : i32 to index
      %get3A_306 = tpu.vector_load %arg6[%get3A_305] {strides = array<i32>} : memref<544xi32, #tpu.memory_space<vmem>>, vector<16xi32>,
      %dma_wait3A_307 = arith.constant 0 : i32
      %dma_wait3A_308 = arith.constant 0 : i32
      %dma_wait3A_309 = arith.constant 0 : i32
      %dma_wait3A_310 = tpu.memref_slice %arg8[%dma_wait3A_307, %dma_wait3A_308, %dma_wait3A_309] : memref<8x64x128xf32, #tpu.memory_space<vmem>> -> memref<1x64x128xf32, #tpu.memory_space<vmem>>
      %dma_wait3A_311 = tpu.memref_squeeze %dma_wait3A_310 : memref<1x64x128xf32, #tpu.memory_space<vmem>> -> memref<64x128xf32, #tpu.memory_space<vmem>>
      %dma_wait3A_312 = arith.constant 0 : i32
      %dma_wait3A_313 = arith.constant 0 : i32
      %dma_wait3A_314 = tpu.memref_slice %arg2[%dma_wait3A_312, %dma_wait3A_313] : memref<64x1000000xf32, #tpu.memory_space<hbm>> -> memref<64x128xf32, #tpu.memory_space<hbm>>
      %dma_wait3A_315 = arith.constant 0 : i32
      %dma_wait3A_316 = arith.constant 0 : i32
      %dma_wait3A_317 = tpu.memref_slice %arg8[%dma_wait3A_307, %dma_wait3A_315, %dma_wait3A_316] : memref<8x64x128xf32, #tpu.memory_space<vmem>> -> memref<1x64x128xf32, #tpu.memory_space<vmem>>
      %dma_wait3A_318 = tpu.memref_squeeze %dma_wait3A_317 : memref<1x64x128xf32, #tpu.memory_space<vmem>> -> memref<64x128xf32, #tpu.memory_space<vmem>>
      %dma_wait3A_319 = arith.constant 0 : i32
      %dma_wait3A_320 = arith.constant 0 : i32
      %dma_wait3A_321 = tpu.memref_slice %arg2[%dma_wait3A_319, %dma_wait3A_320] : memref<64x1000000xf32, #tpu.memory_space<hbm>> -> memref<64x128xf32, #tpu.memory_space<hbm>>
      tpu.wait_dma2 semaphore(%arg10 : memref<!tpu.dma_semaphore, #tpu.memory_space<semaphore_mem>>) src(%dma_wait3A_321 : memref<64x128xf32, #tpu.memory_space<hbm>>) dst(%dma_wait3A_318 : memref<64x128xf32, #tpu.memory_space<vmem>>)
      %slice3A_322 = vector.extract_strided_slice %get3A_306 {offsets = [0], sizes = [1], strides = [1]} : vector<16xi32> to vector<1xi32>
      %squeeze3A_323 = vector.extract %slice3A_322[0] : i32 from vector<1xi32>
      %mul3A_324 = arith.constant 8 : i32
      %mul3A_325 = arith.muli %scan3A_302, %mul3A_324 : i32
      %add3A_326 = arith.constant 0 : i32
      %add3A_327 = arith.addi %mul3A_325, %add3A_326 : i32
      %add3A_328 = vector.broadcast %add3A_327 : i32 to vector<16xi32>
      %add3A_329 = arith.addi %broadcast_in_dim3A_3, %add3A_328 : vector<16xi32>
      %ge3A = arith.constant 999936 : i32
      %ge3A_330 = arith.cmpi sge, %squeeze3A_323, %ge3A : i32
      %convert_element_type3A = arith.extui %ge3A_330 : i1 to i32
      %cond3A = arith.constant 0 : i32
      %cond3A_331 = arith.cmpi ne, %convert_element_type3A, %cond3A : i32
      scf.if %cond3A_331 {
        %sub3A = arith.constant 999936 : i32
        %sub3A_743 = arith.subi %squeeze3A_323, %sub3A : i32
        %add3A_744 = vector.broadcast %sub3A_743 : i32 to vector<16xi32>
        %add3A_745 = arith.addi %broadcast_in_dim3A_3, %add3A_744 : vector<16xi32>
        %add3A_746 = arith.constant 0 : i32
        %add3A_747 = vector.broadcast %add3A_746 : i32 to vector<16xi32>
        %add3A_748 = arith.addi %iota3A, %add3A_747 : vector<16xi32>
        %gather3A = tpu.vector_load_idx %arg7[%add3A_748, %add3A_745] : memref<64x64xf32, #tpu.memory_space<vmem>>[vector<16xi32>, vector<16xi32>], vector<16xf32>,
        %add3A_749 = arith.constant 0 : i32
        %add3A_750 = vector.broadcast %add3A_749 : i32 to vector<16xi32>
        %add3A_751 = arith.addi %iota3A, %add3A_750 : vector<16xi32>
        tpu.vector_store_idx %arg9[%add3A_751, %add3A_329], %gather3A : memref<64x512xf32, #tpu.memory_space<vmem>>[vector<16xi32>, vector<16xi32>], vector<16xf32>,
        %add3A_752 = arith.constant 16 : i32
        %add3A_753 = vector.broadcast %add3A_752 : i32 to vector<16xi32>
        %add3A_754 = arith.addi %iota3A, %add3A_753 : vector<16xi32>
        %gather3A_755 = tpu.vector_load_idx %arg7[%add3A_754, %add3A_745] : memref<64x64xf32, #tpu.memory_space<vmem>>[vector<16xi32>, vector<16xi32>], vector<16xf32>,
        %add3A_756 = arith.constant 16 : i32
        %add3A_757 = vector.broadcast %add3A_756 : i32 to vector<16xi32>
        %add3A_758 = arith.addi %iota3A, %add3A_757 : vector<16xi32>
        tpu.vector_store_idx %arg9[%add3A_758, %add3A_329], %gather3A_755 : memref<64x512xf32, #tpu.memory_space<vmem>>[vector<16xi32>, vector<16xi32>], vector<16xf32>,
        %add3A_759 = arith.constant 32 : i32
        %add3A_760 = vector.broadcast %add3A_759 : i32 to vector<16xi32>
        %add3A_761 = arith.addi %iota3A, %add3A_760 : vector<16xi32>
        %gather3A_762 = tpu.vector_load_idx %arg7[%add3A_761, %add3A_745] : memref<64x64xf32, #tpu.memory_space<vmem>>[vector<16xi32>, vector<16xi32>], vector<16xf32>,
        %add3A_763 = arith.constant 32 : i32
        %add3A_764 = vector.broadcast %add3A_763 : i32 to vector<16xi32>
        %add3A_765 = arith.addi %iota3A, %add3A_764 : vector<16xi32>
        tpu.vector_store_idx %arg9[%add3A_765, %add3A_329], %gather3A_762 : memref<64x512xf32, #tpu.memory_space<vmem>>[vector<16xi32>, vector<16xi32>], vector<16xf32>,
        %add3A_766 = arith.constant 48 : i32
        %add3A_767 = vector.broadcast %add3A_766 : i32 to vector<16xi32>
        %add3A_768 = arith.addi %iota3A, %add3A_767 : vector<16xi32>
        %gather3A_769 = tpu.vector_load_idx %arg7[%add3A_768, %add3A_745] : memref<64x64xf32, #tpu.memory_space<vmem>>[vector<16xi32>, vector<16xi32>], vector<16xf32>,
        %add3A_770 = arith.constant 48 : i32
        %add3A_771 = vector.broadcast %add3A_770 : i32 to vector<16xi32>
        %add3A_772 = arith.addi %iota3A, %add3A_771 : vector<16xi32>
        tpu.vector_store_idx %arg9[%add3A_772, %add3A_329], %gather3A_769 : memref<64x512xf32, #tpu.memory_space<vmem>>[vector<16xi32>, vector<16xi32>], vector<16xf32>,
      } else {
      }
      %not3A = arith.constant true
      %not3A_332 = arith.xori %ge3A_330, %not3A : i1
      %convert_element_type3A_333 = arith.extui %not3A_332 : i1 to i32
      %cond3A_334 = arith.constant 0 : i32
      %cond3A_335 = arith.cmpi ne, %convert_element_type3A_333, %cond3A_334 : i32
      scf.if %cond3A_335 {
        %and3A = arith.constant 127 : i32
        %and3A_743 = arith.andi %squeeze3A_323, %and3A : i32
        %add3A_744 = vector.broadcast %and3A_743 : i32 to vector<16xi32>
        %add3A_745 = arith.addi %broadcast_in_dim3A_3, %add3A_744 : vector<16xi32>
        %add3A_746 = arith.constant 0 : i32
        %add3A_747 = vector.broadcast %add3A_746 : i32 to vector<16xi32>
        %add3A_748 = arith.addi %iota3A, %add3A_747 : vector<16xi32>
        %gather3A = arith.constant 0 : i32
        %gather3A_749 = arith.constant 0 : i32
        %gather3A_750 = arith.constant 0 : i32
        %gather3A_751 = tpu.memref_slice %arg8[%gather3A, %gather3A_749, %gather3A_750] : memref<8x64x128xf32, #tpu.memory_space<vmem>> -> memref<1x64x128xf32, #tpu.memory_space<vmem>>
        %gather3A_752 = tpu.memref_squeeze %gather3A_751 : memref<1x64x128xf32, #tpu.memory_space<vmem>> -> memref<64x128xf32, #tpu.memory_space<vmem>>
        %gather3A_753 = tpu.vector_load_idx %gather3A_752[%add3A_748, %add3A_745] : memref<64x128xf32, #tpu.memory_space<vmem>>[vector<16xi32>, vector<16xi32>], vector<16xf32>,
        %add3A_754 = arith.constant 0 : i32
        %add3A_755 = vector.broadcast %add3A_754 : i32 to vector<16xi32>
        %add3A_756 = arith.addi %iota3A, %add3A_755 : vector<16xi32>
        tpu.vector_store_idx %arg9[%add3A_756, %add3A_329], %gather3A_753 : memref<64x512xf32, #tpu.memory_space<vmem>>[vector<16xi32>, vector<16xi32>], vector<16xf32>,
        %add3A_757 = arith.constant 16 : i32
        %add3A_758 = vector.broadcast %add3A_757 : i32 to vector<16xi32>
        %add3A_759 = arith.addi %iota3A, %add3A_758 : vector<16xi32>
        %gather3A_760 = arith.constant 0 : i32
        %gather3A_761 = arith.constant 0 : i32
        %gather3A_762 = arith.constant 0 : i32
        %gather3A_763 = tpu.memref_slice %arg8[%gather3A_760, %gather3A_761, %gather3A_762] : memref<8x64x128xf32, #tpu.memory_space<vmem>> -> memref<1x64x128xf32, #tpu.memory_space<vmem>>
        %gather3A_764 = tpu.memref_squeeze %gather3A_763 : memref<1x64x128xf32, #tpu.memory_space<vmem>> -> memref<64x128xf32, #tpu.memory_space<vmem>>
        %gather3A_765 = tpu.vector_load_idx %gather3A_764[%add3A_759, %add3A_745] : memref<64x128xf32, #tpu.memory_space<vmem>>[vector<16xi32>, vector<16xi32>], vector<16xf32>,
        %add3A_766 = arith.constant 16 : i32
        %add3A_767 = vector.broadcast %add3A_766 : i32 to vector<16xi32>
        %add3A_768 = arith.addi %iota3A, %add3A_767 : vector<16xi32>
        tpu.vector_store_idx %arg9[%add3A_768, %add3A_329], %gather3A_765 : memref<64x512xf32, #tpu.memory_space<vmem>>[vector<16xi32>, vector<16xi32>], vector<16xf32>,
        %add3A_769 = arith.constant 32 : i32
        %add3A_770 = vector.broadcast %add3A_769 : i32 to vector<16xi32>
        %add3A_771 = arith.addi %iota3A, %add3A_770 : vector<16xi32>
        %gather3A_772 = arith.constant 0 : i32
        %gather3A_773 = arith.constant 0 : i32
        %gather3A_774 = arith.constant 0 : i32
        %gather3A_775 = tpu.memref_slice %arg8[%gather3A_772, %gather3A_773, %gather3A_774] : memref<8x64x128xf32, #tpu.memory_space<vmem>> -> memref<1x64x128xf32, #tpu.memory_space<vmem>>
        %gather3A_776 = tpu.memref_squeeze %gather3A_775 : memref<1x64x128xf32, #tpu.memory_space<vmem>> -> memref<64x128xf32, #tpu.memory_space<vmem>>
        %gather3A_777 = tpu.vector_load_idx %gather3A_776[%add3A_771, %add3A_745] : memref<64x128xf32, #tpu.memory_space<vmem>>[vector<16xi32>, vector<16xi32>], vector<16xf32>,
        %add3A_778 = arith.constant 32 : i32
        %add3A_779 = vector.broadcast %add3A_778 : i32 to vector<16xi32>
        %add3A_780 = arith.addi %iota3A, %add3A_779 : vector<16xi32>
        tpu.vector_store_idx %arg9[%add3A_780, %add3A_329], %gather3A_777 : memref<64x512xf32, #tpu.memory_space<vmem>>[vector<16xi32>, vector<16xi32>], vector<16xf32>,
        %add3A_781 = arith.constant 48 : i32
        %add3A_782 = vector.broadcast %add3A_781 : i32 to vector<16xi32>
        %add3A_783 = arith.addi %iota3A, %add3A_782 : vector<16xi32>
        %gather3A_784 = arith.constant 0 : i32
        %gather3A_785 = arith.constant 0 : i32
        %gather3A_786 = arith.constant 0 : i32
        %gather3A_787 = tpu.memref_slice %arg8[%gather3A_784, %gather3A_785, %gather3A_786] : memref<8x64x128xf32, #tpu.memory_space<vmem>> -> memref<1x64x128xf32, #tpu.memory_space<vmem>>
        %gather3A_788 = tpu.memref_squeeze %gather3A_787 : memref<1x64x128xf32, #tpu.memory_space<vmem>> -> memref<64x128xf32, #tpu.memory_space<vmem>>
        %gather3A_789 = tpu.vector_load_idx %gather3A_788[%add3A_783, %add3A_745] : memref<64x128xf32, #tpu.memory_space<vmem>>[vector<16xi32>, vector<16xi32>], vector<16xf32>,
        %add3A_790 = arith.constant 48 : i32
        %add3A_791 = vector.broadcast %add3A_790 : i32 to vector<16xi32>
        %add3A_792 = arith.addi %iota3A, %add3A_791 : vector<16xi32>
        tpu.vector_store_idx %arg9[%add3A_792, %add3A_329], %gather3A_789 : memref<64x512xf32, #tpu.memory_space<vmem>>[vector<16xi32>, vector<16xi32>], vector<16xf32>,
      } else {
      }
      %slice3A_336 = vector.extract_strided_slice %get3A_306 {offsets = [8], sizes = [1], strides = [1]} : vector<16xi32> to vector<1xi32>
      %squeeze3A_337 = vector.extract %slice3A_336[0] : i32 from vector<1xi32>
      %shift_right_logical3A_338 = arith.constant 7 : i32
      %shift_right_logical3A_339 = arith.shrui %squeeze3A_337, %shift_right_logical3A_338 : i32
      %min3A_340 = arith.constant 7811 : i32
      %min3A_341 = arith.minsi %shift_right_logical3A_339, %min3A_340 : i32
      %mul3A_342 = arith.constant 128 : i32
      %mul3A_343 = arith.muli %min3A_341, %mul3A_342 : i32
      %multiple_of3A_344 = tpu.assume_multiple %mul3A_343, 128 : i32
      %dma_start3A_345 = arith.constant 0 : i32
      %dma_start3A_346 = arith.constant 0 : i32
      %dma_start3A_347 = arith.constant 0 : i32
      %dma_start3A_348 = tpu.memref_slice %arg8[%dma_start3A_345, %dma_start3A_346, %dma_start3A_347] : memref<8x64x128xf32, #tpu.memory_space<vmem>> -> memref<1x64x128xf32, #tpu.memory_space<vmem>>
      %dma_start3A_349 = tpu.memref_squeeze %dma_start3A_348 : memref<1x64x128xf32, #tpu.memory_space<vmem>> -> memref<64x128xf32, #tpu.memory_space<vmem>>
      %dma_start3A_350 = arith.constant 0 : i32
      %dma_start3A_351 = tpu.memref_slice %arg2[%dma_start3A_350, %multiple_of3A_344] : memref<64x1000000xf32, #tpu.memory_space<hbm>> -> memref<64x128xf32, #tpu.memory_space<hbm>>
      %dma_start3A_352 = arith.constant 0 : i32
      %dma_start3A_353 = arith.constant 0 : i32
      %dma_start3A_354 = tpu.memref_slice %arg8[%dma_start3A_345, %dma_start3A_352, %dma_start3A_353] : memref<8x64x128xf32, #tpu.memory_space<vmem>> -> memref<1x64x128xf32, #tpu.memory_space<vmem>>
      %dma_start3A_355 = tpu.memref_squeeze %dma_start3A_354 : memref<1x64x128xf32, #tpu.memory_space<vmem>> -> memref<64x128xf32, #tpu.memory_space<vmem>>
      %dma_start3A_356 = arith.constant 0 : i32
      %dma_start3A_357 = tpu.memref_slice %arg2[%dma_start3A_356, %multiple_of3A_344] : memref<64x1000000xf32, #tpu.memory_space<hbm>> -> memref<64x128xf32, #tpu.memory_space<hbm>>
      tpu.enqueue_dma source(%dma_start3A_357 : memref<64x128xf32, #tpu.memory_space<hbm>>) target(%dma_start3A_355 : memref<64x128xf32, #tpu.memory_space<vmem>>) target_semaphore(%arg10 : memref<!tpu.dma_semaphore, #tpu.memory_space<semaphore_mem>>)
      %dma_wait3A_358 = arith.constant 1 : i32
      %dma_wait3A_359 = arith.constant 0 : i32
      %dma_wait3A_360 = arith.constant 0 : i32
      %dma_wait3A_361 = tpu.memref_slice %arg8[%dma_wait3A_358, %dma_wait3A_359, %dma_wait3A_360] : memref<8x64x128xf32, #tpu.memory_space<vmem>> -> memref<1x64x128xf32, #tpu.memory_space<vmem>>
      %dma_wait3A_362 = tpu.memref_squeeze %dma_wait3A_361 : memref<1x64x128xf32, #tpu.memory_space<vmem>> -> memref<64x128xf32, #tpu.memory_space<vmem>>
      %dma_wait3A_363 = arith.constant 0 : i32
      %dma_wait3A_364 = arith.constant 0 : i32
      %dma_wait3A_365 = tpu.memref_slice %arg2[%dma_wait3A_363, %dma_wait3A_364] : memref<64x1000000xf32, #tpu.memory_space<hbm>> -> memref<64x128xf32, #tpu.memory_space<hbm>>
      %dma_wait3A_366 = arith.constant 0 : i32
      %dma_wait3A_367 = arith.constant 0 : i32
      %dma_wait3A_368 = tpu.memref_slice %arg8[%dma_wait3A_358, %dma_wait3A_366, %dma_wait3A_367] : memref<8x64x128xf32, #tpu.memory_space<vmem>> -> memref<1x64x128xf32, #tpu.memory_space<vmem>>
      %dma_wait3A_369 = tpu.memref_squeeze %dma_wait3A_368 : memref<1x64x128xf32, #tpu.memory_space<vmem>> -> memref<64x128xf32, #tpu.memory_space<vmem>>
      %dma_wait3A_370 = arith.constant 0 : i32
      %dma_wait3A_371 = arith.constant 0 : i32
      %dma_wait3A_372 = tpu.memref_slice %arg2[%dma_wait3A_370, %dma_wait3A_371] : memref<64x1000000xf32, #tpu.memory_space<hbm>> -> memref<64x128xf32, #tpu.memory_space<hbm>>
      tpu.wait_dma2 semaphore(%arg11 : memref<!tpu.dma_semaphore, #tpu.memory_space<semaphore_mem>>) src(%dma_wait3A_372 : memref<64x128xf32, #tpu.memory_space<hbm>>) dst(%dma_wait3A_369 : memref<64x128xf32, #tpu.memory_space<vmem>>)
      %slice3A_373 = vector.extract_strided_slice %get3A_306 {offsets = [1], sizes = [1], strides = [1]} : vector<16xi32> to vector<1xi32>
      %squeeze3A_374 = vector.extract %slice3A_373[0] : i32 from vector<1xi32>
      %mul3A_375 = arith.constant 8 : i32
      %mul3A_376 = arith.muli %scan3A_302, %mul3A_375 : i32
      %add3A_377 = arith.constant 1 : i32
      %add3A_378 = arith.addi %mul3A_376, %add3A_377 : i32
      %add3A_379 = vector.broadcast %add3A_378 : i32 to vector<16xi32>
      %add3A_380 = arith.addi %broadcast_in_dim3A_3, %add3A_379 : vector<16xi32>
      %ge3A_381 = arith.constant 999936 : i32
      %ge3A_382 = arith.cmpi sge, %squeeze3A_374, %ge3A_381 : i32
      %convert_element_type3A_383 = arith.extui %ge3A_382 : i1 to i32
      %cond3A_384 = arith.constant 0 : i32
      %cond3A_385 = arith.cmpi ne, %convert_element_type3A_383, %cond3A_384 : i32
      scf.if %cond3A_385 {
        %sub3A = arith.constant 999936 : i32
        %sub3A_743 = arith.subi %squeeze3A_374, %sub3A : i32
        %add3A_744 = vector.broadcast %sub3A_743 : i32 to vector<16xi32>
        %add3A_745 = arith.addi %broadcast_in_dim3A_3, %add3A_744 : vector<16xi32>
        %add3A_746 = arith.constant 0 : i32
        %add3A_747 = vector.broadcast %add3A_746 : i32 to vector<16xi32>
        %add3A_748 = arith.addi %iota3A, %add3A_747 : vector<16xi32>
        %gather3A = tpu.vector_load_idx %arg7[%add3A_748, %add3A_745] : memref<64x64xf32, #tpu.memory_space<vmem>>[vector<16xi32>, vector<16xi32>], vector<16xf32>,
        %add3A_749 = arith.constant 0 : i32
        %add3A_750 = vector.broadcast %add3A_749 : i32 to vector<16xi32>
        %add3A_751 = arith.addi %iota3A, %add3A_750 : vector<16xi32>
        tpu.vector_store_idx %arg9[%add3A_751, %add3A_380], %gather3A : memref<64x512xf32, #tpu.memory_space<vmem>>[vector<16xi32>, vector<16xi32>], vector<16xf32>,
        %add3A_752 = arith.constant 16 : i32
        %add3A_753 = vector.broadcast %add3A_752 : i32 to vector<16xi32>
        %add3A_754 = arith.addi %iota3A, %add3A_753 : vector<16xi32>
        %gather3A_755 = tpu.vector_load_idx %arg7[%add3A_754, %add3A_745] : memref<64x64xf32, #tpu.memory_space<vmem>>[vector<16xi32>, vector<16xi32>], vector<16xf32>,
        %add3A_756 = arith.constant 16 : i32
        %add3A_757 = vector.broadcast %add3A_756 : i32 to vector<16xi32>
        %add3A_758 = arith.addi %iota3A, %add3A_757 : vector<16xi32>
        tpu.vector_store_idx %arg9[%add3A_758, %add3A_380], %gather3A_755 : memref<64x512xf32, #tpu.memory_space<vmem>>[vector<16xi32>, vector<16xi32>], vector<16xf32>,
        %add3A_759 = arith.constant 32 : i32
        %add3A_760 = vector.broadcast %add3A_759 : i32 to vector<16xi32>
        %add3A_761 = arith.addi %iota3A, %add3A_760 : vector<16xi32>
        %gather3A_762 = tpu.vector_load_idx %arg7[%add3A_761, %add3A_745] : memref<64x64xf32, #tpu.memory_space<vmem>>[vector<16xi32>, vector<16xi32>], vector<16xf32>,
        %add3A_763 = arith.constant 32 : i32
        %add3A_764 = vector.broadcast %add3A_763 : i32 to vector<16xi32>
        %add3A_765 = arith.addi %iota3A, %add3A_764 : vector<16xi32>
        tpu.vector_store_idx %arg9[%add3A_765, %add3A_380], %gather3A_762 : memref<64x512xf32, #tpu.memory_space<vmem>>[vector<16xi32>, vector<16xi32>], vector<16xf32>,
        %add3A_766 = arith.constant 48 : i32
        %add3A_767 = vector.broadcast %add3A_766 : i32 to vector<16xi32>
        %add3A_768 = arith.addi %iota3A, %add3A_767 : vector<16xi32>
        %gather3A_769 = tpu.vector_load_idx %arg7[%add3A_768, %add3A_745] : memref<64x64xf32, #tpu.memory_space<vmem>>[vector<16xi32>, vector<16xi32>], vector<16xf32>,
        %add3A_770 = arith.constant 48 : i32
        %add3A_771 = vector.broadcast %add3A_770 : i32 to vector<16xi32>
        %add3A_772 = arith.addi %iota3A, %add3A_771 : vector<16xi32>
        tpu.vector_store_idx %arg9[%add3A_772, %add3A_380], %gather3A_769 : memref<64x512xf32, #tpu.memory_space<vmem>>[vector<16xi32>, vector<16xi32>], vector<16xf32>,
      } else {
      }
      %not3A_386 = arith.constant true
      %not3A_387 = arith.xori %ge3A_382, %not3A_386 : i1
      %convert_element_type3A_388 = arith.extui %not3A_387 : i1 to i32
      %cond3A_389 = arith.constant 0 : i32
      %cond3A_390 = arith.cmpi ne, %convert_element_type3A_388, %cond3A_389 : i32
      scf.if %cond3A_390 {
        %and3A = arith.constant 127 : i32
        %and3A_743 = arith.andi %squeeze3A_374, %and3A : i32
        %add3A_744 = vector.broadcast %and3A_743 : i32 to vector<16xi32>
        %add3A_745 = arith.addi %broadcast_in_dim3A_3, %add3A_744 : vector<16xi32>
        %add3A_746 = arith.constant 0 : i32
        %add3A_747 = vector.broadcast %add3A_746 : i32 to vector<16xi32>
        %add3A_748 = arith.addi %iota3A, %add3A_747 : vector<16xi32>
        %gather3A = arith.constant 1 : i32
        %gather3A_749 = arith.constant 0 : i32
        %gather3A_750 = arith.constant 0 : i32
        %gather3A_751 = tpu.memref_slice %arg8[%gather3A, %gather3A_749, %gather3A_750] : memref<8x64x128xf32, #tpu.memory_space<vmem>> -> memref<1x64x128xf32, #tpu.memory_space<vmem>>
        %gather3A_752 = tpu.memref_squeeze %gather3A_751 : memref<1x64x128xf32, #tpu.memory_space<vmem>> -> memref<64x128xf32, #tpu.memory_space<vmem>>
        %gather3A_753 = tpu.vector_load_idx %gather3A_752[%add3A_748, %add3A_745] : memref<64x128xf32, #tpu.memory_space<vmem>>[vector<16xi32>, vector<16xi32>], vector<16xf32>,
        %add3A_754 = arith.constant 0 : i32
        %add3A_755 = vector.broadcast %add3A_754 : i32 to vector<16xi32>
        %add3A_756 = arith.addi %iota3A, %add3A_755 : vector<16xi32>
        tpu.vector_store_idx %arg9[%add3A_756, %add3A_380], %gather3A_753 : memref<64x512xf32, #tpu.memory_space<vmem>>[vector<16xi32>, vector<16xi32>], vector<16xf32>,
        %add3A_757 = arith.constant 16 : i32
        %add3A_758 = vector.broadcast %add3A_757 : i32 to vector<16xi32>
        %add3A_759 = arith.addi %iota3A, %add3A_758 : vector<16xi32>
        %gather3A_760 = arith.constant 1 : i32
        %gather3A_761 = arith.constant 0 : i32
        %gather3A_762 = arith.constant 0 : i32
        %gather3A_763 = tpu.memref_slice %arg8[%gather3A_760, %gather3A_761, %gather3A_762] : memref<8x64x128xf32, #tpu.memory_space<vmem>> -> memref<1x64x128xf32, #tpu.memory_space<vmem>>
        %gather3A_764 = tpu.memref_squeeze %gather3A_763 : memref<1x64x128xf32, #tpu.memory_space<vmem>> -> memref<64x128xf32, #tpu.memory_space<vmem>>
        %gather3A_765 = tpu.vector_load_idx %gather3A_764[%add3A_759, %add3A_745] : memref<64x128xf32, #tpu.memory_space<vmem>>[vector<16xi32>, vector<16xi32>], vector<16xf32>,
        %add3A_766 = arith.constant 16 : i32
        %add3A_767 = vector.broadcast %add3A_766 : i32 to vector<16xi32>
        %add3A_768 = arith.addi %iota3A, %add3A_767 : vector<16xi32>
        tpu.vector_store_idx %arg9[%add3A_768, %add3A_380], %gather3A_765 : memref<64x512xf32, #tpu.memory_space<vmem>>[vector<16xi32>, vector<16xi32>], vector<16xf32>,
        %add3A_769 = arith.constant 32 : i32
        %add3A_770 = vector.broadcast %add3A_769 : i32 to vector<16xi32>
        %add3A_771 = arith.addi %iota3A, %add3A_770 : vector<16xi32>
        %gather3A_772 = arith.constant 1 : i32
        %gather3A_773 = arith.constant 0 : i32
        %gather3A_774 = arith.constant 0 : i32
        %gather3A_775 = tpu.memref_slice %arg8[%gather3A_772, %gather3A_773, %gather3A_774] : memref<8x64x128xf32, #tpu.memory_space<vmem>> -> memref<1x64x128xf32, #tpu.memory_space<vmem>>
        %gather3A_776 = tpu.memref_squeeze %gather3A_775 : memref<1x64x128xf32, #tpu.memory_space<vmem>> -> memref<64x128xf32, #tpu.memory_space<vmem>>
        %gather3A_777 = tpu.vector_load_idx %gather3A_776[%add3A_771, %add3A_745] : memref<64x128xf32, #tpu.memory_space<vmem>>[vector<16xi32>, vector<16xi32>], vector<16xf32>,
        %add3A_778 = arith.constant 32 : i32
        %add3A_779 = vector.broadcast %add3A_778 : i32 to vector<16xi32>
        %add3A_780 = arith.addi %iota3A, %add3A_779 : vector<16xi32>
        tpu.vector_store_idx %arg9[%add3A_780, %add3A_380], %gather3A_777 : memref<64x512xf32, #tpu.memory_space<vmem>>[vector<16xi32>, vector<16xi32>], vector<16xf32>,
        %add3A_781 = arith.constant 48 : i32
        %add3A_782 = vector.broadcast %add3A_781 : i32 to vector<16xi32>
        %add3A_783 = arith.addi %iota3A, %add3A_782 : vector<16xi32>
        %gather3A_784 = arith.constant 1 : i32
        %gather3A_785 = arith.constant 0 : i32
        %gather3A_786 = arith.constant 0 : i32
        %gather3A_787 = tpu.memref_slice %arg8[%gather3A_784, %gather3A_785, %gather3A_786] : memref<8x64x128xf32, #tpu.memory_space<vmem>> -> memref<1x64x128xf32, #tpu.memory_space<vmem>>
        %gather3A_788 = tpu.memref_squeeze %gather3A_787 : memref<1x64x128xf32, #tpu.memory_space<vmem>> -> memref<64x128xf32, #tpu.memory_space<vmem>>
        %gather3A_789 = tpu.vector_load_idx %gather3A_788[%add3A_783, %add3A_745] : memref<64x128xf32, #tpu.memory_space<vmem>>[vector<16xi32>, vector<16xi32>], vector<16xf32>,
        %add3A_790 = arith.constant 48 : i32
        %add3A_791 = vector.broadcast %add3A_790 : i32 to vector<16xi32>
        %add3A_792 = arith.addi %iota3A, %add3A_791 : vector<16xi32>
        tpu.vector_store_idx %arg9[%add3A_792, %add3A_380], %gather3A_789 : memref<64x512xf32, #tpu.memory_space<vmem>>[vector<16xi32>, vector<16xi32>], vector<16xf32>,
      } else {
      }
      %slice3A_391 = vector.extract_strided_slice %get3A_306 {offsets = [9], sizes = [1], strides = [1]} : vector<16xi32> to vector<1xi32>
      %squeeze3A_392 = vector.extract %slice3A_391[0] : i32 from vector<1xi32>
      %shift_right_logical3A_393 = arith.constant 7 : i32
      %shift_right_logical3A_394 = arith.shrui %squeeze3A_392, %shift_right_logical3A_393 : i32
      %min3A_395 = arith.constant 7811 : i32
      %min3A_396 = arith.minsi %shift_right_logical3A_394, %min3A_395 : i32
      %mul3A_397 = arith.constant 128 : i32
      %mul3A_398 = arith.muli %min3A_396, %mul3A_397 : i32
      %multiple_of3A_399 = tpu.assume_multiple %mul3A_398, 128 : i32
      %dma_start3A_400 = arith.constant 1 : i32
      %dma_start3A_401 = arith.constant 0 : i32
      %dma_start3A_402 = arith.constant 0 : i32
      %dma_start3A_403 = tpu.memref_slice %arg8[%dma_start3A_400, %dma_start3A_401, %dma_start3A_402] : memref<8x64x128xf32, #tpu.memory_space<vmem>> -> memref<1x64x128xf32, #tpu.memory_space<vmem>>
      %dma_start3A_404 = tpu.memref_squeeze %dma_start3A_403 : memref<1x64x128xf32, #tpu.memory_space<vmem>> -> memref<64x128xf32, #tpu.memory_space<vmem>>
      %dma_start3A_405 = arith.constant 0 : i32
      %dma_start3A_406 = tpu.memref_slice %arg2[%dma_start3A_405, %multiple_of3A_399] : memref<64x1000000xf32, #tpu.memory_space<hbm>> -> memref<64x128xf32, #tpu.memory_space<hbm>>
      %dma_start3A_407 = arith.constant 0 : i32
      %dma_start3A_408 = arith.constant 0 : i32
      %dma_start3A_409 = tpu.memref_slice %arg8[%dma_start3A_400, %dma_start3A_407, %dma_start3A_408] : memref<8x64x128xf32, #tpu.memory_space<vmem>> -> memref<1x64x128xf32, #tpu.memory_space<vmem>>
      %dma_start3A_410 = tpu.memref_squeeze %dma_start3A_409 : memref<1x64x128xf32, #tpu.memory_space<vmem>> -> memref<64x128xf32, #tpu.memory_space<vmem>>
      %dma_start3A_411 = arith.constant 0 : i32
      %dma_start3A_412 = tpu.memref_slice %arg2[%dma_start3A_411, %multiple_of3A_399] : memref<64x1000000xf32, #tpu.memory_space<hbm>> -> memref<64x128xf32, #tpu.memory_space<hbm>>
      tpu.enqueue_dma source(%dma_start3A_412 : memref<64x128xf32, #tpu.memory_space<hbm>>) target(%dma_start3A_410 : memref<64x128xf32, #tpu.memory_space<vmem>>) target_semaphore(%arg11 : memref<!tpu.dma_semaphore, #tpu.memory_space<semaphore_mem>>)
      %dma_wait3A_413 = arith.constant 2 : i32
      %dma_wait3A_414 = arith.constant 0 : i32
      %dma_wait3A_415 = arith.constant 0 : i32
      %dma_wait3A_416 = tpu.memref_slice %arg8[%dma_wait3A_413, %dma_wait3A_414, %dma_wait3A_415] : memref<8x64x128xf32, #tpu.memory_space<vmem>> -> memref<1x64x128xf32, #tpu.memory_space<vmem>>
      %dma_wait3A_417 = tpu.memref_squeeze %dma_wait3A_416 : memref<1x64x128xf32, #tpu.memory_space<vmem>> -> memref<64x128xf32, #tpu.memory_space<vmem>>
      %dma_wait3A_418 = arith.constant 0 : i32
      %dma_wait3A_419 = arith.constant 0 : i32
      %dma_wait3A_420 = tpu.memref_slice %arg2[%dma_wait3A_418, %dma_wait3A_419] : memref<64x1000000xf32, #tpu.memory_space<hbm>> -> memref<64x128xf32, #tpu.memory_space<hbm>>
      %dma_wait3A_421 = arith.constant 0 : i32
      %dma_wait3A_422 = arith.constant 0 : i32
      %dma_wait3A_423 = tpu.memref_slice %arg8[%dma_wait3A_413, %dma_wait3A_421, %dma_wait3A_422] : memref<8x64x128xf32, #tpu.memory_space<vmem>> -> memref<1x64x128xf32, #tpu.memory_space<vmem>>
      %dma_wait3A_424 = tpu.memref_squeeze %dma_wait3A_423 : memref<1x64x128xf32, #tpu.memory_space<vmem>> -> memref<64x128xf32, #tpu.memory_space<vmem>>
      %dma_wait3A_425 = arith.constant 0 : i32
      %dma_wait3A_426 = arith.constant 0 : i32
      %dma_wait3A_427 = tpu.memref_slice %arg2[%dma_wait3A_425, %dma_wait3A_426] : memref<64x1000000xf32, #tpu.memory_space<hbm>> -> memref<64x128xf32, #tpu.memory_space<hbm>>
      tpu.wait_dma2 semaphore(%arg12 : memref<!tpu.dma_semaphore, #tpu.memory_space<semaphore_mem>>) src(%dma_wait3A_427 : memref<64x128xf32, #tpu.memory_space<hbm>>) dst(%dma_wait3A_424 : memref<64x128xf32, #tpu.memory_space<vmem>>)
      %slice3A_428 = vector.extract_strided_slice %get3A_306 {offsets = [2], sizes = [1], strides = [1]} : vector<16xi32> to vector<1xi32>
      %squeeze3A_429 = vector.extract %slice3A_428[0] : i32 from vector<1xi32>
      %mul3A_430 = arith.constant 8 : i32
      %mul3A_431 = arith.muli %scan3A_302, %mul3A_430 : i32
      %add3A_432 = arith.constant 2 : i32
      %add3A_433 = arith.addi %mul3A_431, %add3A_432 : i32
      %add3A_434 = vector.broadcast %add3A_433 : i32 to vector<16xi32>
      %add3A_435 = arith.addi %broadcast_in_dim3A_3, %add3A_434 : vector<16xi32>
      %ge3A_436 = arith.constant 999936 : i32
      %ge3A_437 = arith.cmpi sge, %squeeze3A_429, %ge3A_436 : i32
      %convert_element_type3A_438 = arith.extui %ge3A_437 : i1 to i32
      %cond3A_439 = arith.constant 0 : i32
      %cond3A_440 = arith.cmpi ne, %convert_element_type3A_438, %cond3A_439 : i32
      scf.if %cond3A_440 {
        %sub3A = arith.constant 999936 : i32
        %sub3A_743 = arith.subi %squeeze3A_429, %sub3A : i32
        %add3A_744 = vector.broadcast %sub3A_743 : i32 to vector<16xi32>
        %add3A_745 = arith.addi %broadcast_in_dim3A_3, %add3A_744 : vector<16xi32>
        %add3A_746 = arith.constant 0 : i32
        %add3A_747 = vector.broadcast %add3A_746 : i32 to vector<16xi32>
        %add3A_748 = arith.addi %iota3A, %add3A_747 : vector<16xi32>
        %gather3A = tpu.vector_load_idx %arg7[%add3A_748, %add3A_745] : memref<64x64xf32, #tpu.memory_space<vmem>>[vector<16xi32>, vector<16xi32>], vector<16xf32>,
        %add3A_749 = arith.constant 0 : i32
        %add3A_750 = vector.broadcast %add3A_749 : i32 to vector<16xi32>
        %add3A_751 = arith.addi %iota3A, %add3A_750 : vector<16xi32>
        tpu.vector_store_idx %arg9[%add3A_751, %add3A_435], %gather3A : memref<64x512xf32, #tpu.memory_space<vmem>>[vector<16xi32>, vector<16xi32>], vector<16xf32>,
        %add3A_752 = arith.constant 16 : i32
        %add3A_753 = vector.broadcast %add3A_752 : i32 to vector<16xi32>
        %add3A_754 = arith.addi %iota3A, %add3A_753 : vector<16xi32>
        %gather3A_755 = tpu.vector_load_idx %arg7[%add3A_754, %add3A_745] : memref<64x64xf32, #tpu.memory_space<vmem>>[vector<16xi32>, vector<16xi32>], vector<16xf32>,
        %add3A_756 = arith.constant 16 : i32
        %add3A_757 = vector.broadcast %add3A_756 : i32 to vector<16xi32>
        %add3A_758 = arith.addi %iota3A, %add3A_757 : vector<16xi32>
        tpu.vector_store_idx %arg9[%add3A_758, %add3A_435], %gather3A_755 : memref<64x512xf32, #tpu.memory_space<vmem>>[vector<16xi32>, vector<16xi32>], vector<16xf32>,
        %add3A_759 = arith.constant 32 : i32
        %add3A_760 = vector.broadcast %add3A_759 : i32 to vector<16xi32>
        %add3A_761 = arith.addi %iota3A, %add3A_760 : vector<16xi32>
        %gather3A_762 = tpu.vector_load_idx %arg7[%add3A_761, %add3A_745] : memref<64x64xf32, #tpu.memory_space<vmem>>[vector<16xi32>, vector<16xi32>], vector<16xf32>,
        %add3A_763 = arith.constant 32 : i32
        %add3A_764 = vector.broadcast %add3A_763 : i32 to vector<16xi32>
        %add3A_765 = arith.addi %iota3A, %add3A_764 : vector<16xi32>
        tpu.vector_store_idx %arg9[%add3A_765, %add3A_435], %gather3A_762 : memref<64x512xf32, #tpu.memory_space<vmem>>[vector<16xi32>, vector<16xi32>], vector<16xf32>,
        %add3A_766 = arith.constant 48 : i32
        %add3A_767 = vector.broadcast %add3A_766 : i32 to vector<16xi32>
        %add3A_768 = arith.addi %iota3A, %add3A_767 : vector<16xi32>
        %gather3A_769 = tpu.vector_load_idx %arg7[%add3A_768, %add3A_745] : memref<64x64xf32, #tpu.memory_space<vmem>>[vector<16xi32>, vector<16xi32>], vector<16xf32>,
        %add3A_770 = arith.constant 48 : i32
        %add3A_771 = vector.broadcast %add3A_770 : i32 to vector<16xi32>
        %add3A_772 = arith.addi %iota3A, %add3A_771 : vector<16xi32>
        tpu.vector_store_idx %arg9[%add3A_772, %add3A_435], %gather3A_769 : memref<64x512xf32, #tpu.memory_space<vmem>>[vector<16xi32>, vector<16xi32>], vector<16xf32>,
      } else {
      }
      %not3A_441 = arith.constant true
      %not3A_442 = arith.xori %ge3A_437, %not3A_441 : i1
      %convert_element_type3A_443 = arith.extui %not3A_442 : i1 to i32
      %cond3A_444 = arith.constant 0 : i32
      %cond3A_445 = arith.cmpi ne, %convert_element_type3A_443, %cond3A_444 : i32
      scf.if %cond3A_445 {
        %and3A = arith.constant 127 : i32
        %and3A_743 = arith.andi %squeeze3A_429, %and3A : i32
        %add3A_744 = vector.broadcast %and3A_743 : i32 to vector<16xi32>
        %add3A_745 = arith.addi %broadcast_in_dim3A_3, %add3A_744 : vector<16xi32>
        %add3A_746 = arith.constant 0 : i32
        %add3A_747 = vector.broadcast %add3A_746 : i32 to vector<16xi32>
        %add3A_748 = arith.addi %iota3A, %add3A_747 : vector<16xi32>
        %gather3A = arith.constant 2 : i32
        %gather3A_749 = arith.constant 0 : i32
        %gather3A_750 = arith.constant 0 : i32
        %gather3A_751 = tpu.memref_slice %arg8[%gather3A, %gather3A_749, %gather3A_750] : memref<8x64x128xf32, #tpu.memory_space<vmem>> -> memref<1x64x128xf32, #tpu.memory_space<vmem>>
        %gather3A_752 = tpu.memref_squeeze %gather3A_751 : memref<1x64x128xf32, #tpu.memory_space<vmem>> -> memref<64x128xf32, #tpu.memory_space<vmem>>
        %gather3A_753 = tpu.vector_load_idx %gather3A_752[%add3A_748, %add3A_745] : memref<64x128xf32, #tpu.memory_space<vmem>>[vector<16xi32>, vector<16xi32>], vector<16xf32>,
        %add3A_754 = arith.constant 0 : i32
        %add3A_755 = vector.broadcast %add3A_754 : i32 to vector<16xi32>
        %add3A_756 = arith.addi %iota3A, %add3A_755 : vector<16xi32>
        tpu.vector_store_idx %arg9[%add3A_756, %add3A_435], %gather3A_753 : memref<64x512xf32, #tpu.memory_space<vmem>>[vector<16xi32>, vector<16xi32>], vector<16xf32>,
        %add3A_757 = arith.constant 16 : i32
        %add3A_758 = vector.broadcast %add3A_757 : i32 to vector<16xi32>
        %add3A_759 = arith.addi %iota3A, %add3A_758 : vector<16xi32>
        %gather3A_760 = arith.constant 2 : i32
        %gather3A_761 = arith.constant 0 : i32
        %gather3A_762 = arith.constant 0 : i32
        %gather3A_763 = tpu.memref_slice %arg8[%gather3A_760, %gather3A_761, %gather3A_762] : memref<8x64x128xf32, #tpu.memory_space<vmem>> -> memref<1x64x128xf32, #tpu.memory_space<vmem>>
        %gather3A_764 = tpu.memref_squeeze %gather3A_763 : memref<1x64x128xf32, #tpu.memory_space<vmem>> -> memref<64x128xf32, #tpu.memory_space<vmem>>
        %gather3A_765 = tpu.vector_load_idx %gather3A_764[%add3A_759, %add3A_745] : memref<64x128xf32, #tpu.memory_space<vmem>>[vector<16xi32>, vector<16xi32>], vector<16xf32>,
        %add3A_766 = arith.constant 16 : i32
        %add3A_767 = vector.broadcast %add3A_766 : i32 to vector<16xi32>
        %add3A_768 = arith.addi %iota3A, %add3A_767 : vector<16xi32>
        tpu.vector_store_idx %arg9[%add3A_768, %add3A_435], %gather3A_765 : memref<64x512xf32, #tpu.memory_space<vmem>>[vector<16xi32>, vector<16xi32>], vector<16xf32>,
        %add3A_769 = arith.constant 32 : i32
        %add3A_770 = vector.broadcast %add3A_769 : i32 to vector<16xi32>
        %add3A_771 = arith.addi %iota3A, %add3A_770 : vector<16xi32>
        %gather3A_772 = arith.constant 2 : i32
        %gather3A_773 = arith.constant 0 : i32
        %gather3A_774 = arith.constant 0 : i32
        %gather3A_775 = tpu.memref_slice %arg8[%gather3A_772, %gather3A_773, %gather3A_774] : memref<8x64x128xf32, #tpu.memory_space<vmem>> -> memref<1x64x128xf32, #tpu.memory_space<vmem>>
        %gather3A_776 = tpu.memref_squeeze %gather3A_775 : memref<1x64x128xf32, #tpu.memory_space<vmem>> -> memref<64x128xf32, #tpu.memory_space<vmem>>
        %gather3A_777 = tpu.vector_load_idx %gather3A_776[%add3A_771, %add3A_745] : memref<64x128xf32, #tpu.memory_space<vmem>>[vector<16xi32>, vector<16xi32>], vector<16xf32>,
        %add3A_778 = arith.constant 32 : i32
        %add3A_779 = vector.broadcast %add3A_778 : i32 to vector<16xi32>
        %add3A_780 = arith.addi %iota3A, %add3A_779 : vector<16xi32>
        tpu.vector_store_idx %arg9[%add3A_780, %add3A_435], %gather3A_777 : memref<64x512xf32, #tpu.memory_space<vmem>>[vector<16xi32>, vector<16xi32>], vector<16xf32>,
        %add3A_781 = arith.constant 48 : i32
        %add3A_782 = vector.broadcast %add3A_781 : i32 to vector<16xi32>
        %add3A_783 = arith.addi %iota3A, %add3A_782 : vector<16xi32>
        %gather3A_784 = arith.constant 2 : i32
        %gather3A_785 = arith.constant 0 : i32
        %gather3A_786 = arith.constant 0 : i32
        %gather3A_787 = tpu.memref_slice %arg8[%gather3A_784, %gather3A_785, %gather3A_786] : memref<8x64x128xf32, #tpu.memory_space<vmem>> -> memref<1x64x128xf32, #tpu.memory_space<vmem>>
        %gather3A_788 = tpu.memref_squeeze %gather3A_787 : memref<1x64x128xf32, #tpu.memory_space<vmem>> -> memref<64x128xf32, #tpu.memory_space<vmem>>
        %gather3A_789 = tpu.vector_load_idx %gather3A_788[%add3A_783, %add3A_745] : memref<64x128xf32, #tpu.memory_space<vmem>>[vector<16xi32>, vector<16xi32>], vector<16xf32>,
        %add3A_790 = arith.constant 48 : i32
        %add3A_791 = vector.broadcast %add3A_790 : i32 to vector<16xi32>
        %add3A_792 = arith.addi %iota3A, %add3A_791 : vector<16xi32>
        tpu.vector_store_idx %arg9[%add3A_792, %add3A_435], %gather3A_789 : memref<64x512xf32, #tpu.memory_space<vmem>>[vector<16xi32>, vector<16xi32>], vector<16xf32>,
      } else {
      }
      %slice3A_446 = vector.extract_strided_slice %get3A_306 {offsets = [10], sizes = [1], strides = [1]} : vector<16xi32> to vector<1xi32>
      %squeeze3A_447 = vector.extract %slice3A_446[0] : i32 from vector<1xi32>
      %shift_right_logical3A_448 = arith.constant 7 : i32
      %shift_right_logical3A_449 = arith.shrui %squeeze3A_447, %shift_right_logical3A_448 : i32
      %min3A_450 = arith.constant 7811 : i32
      %min3A_451 = arith.minsi %shift_right_logical3A_449, %min3A_450 : i32
      %mul3A_452 = arith.constant 128 : i32
      %mul3A_453 = arith.muli %min3A_451, %mul3A_452 : i32
      %multiple_of3A_454 = tpu.assume_multiple %mul3A_453, 128 : i32
      %dma_start3A_455 = arith.constant 2 : i32
      %dma_start3A_456 = arith.constant 0 : i32
      %dma_start3A_457 = arith.constant 0 : i32
      %dma_start3A_458 = tpu.memref_slice %arg8[%dma_start3A_455, %dma_start3A_456, %dma_start3A_457] : memref<8x64x128xf32, #tpu.memory_space<vmem>> -> memref<1x64x128xf32, #tpu.memory_space<vmem>>
      %dma_start3A_459 = tpu.memref_squeeze %dma_start3A_458 : memref<1x64x128xf32, #tpu.memory_space<vmem>> -> memref<64x128xf32, #tpu.memory_space<vmem>>
      %dma_start3A_460 = arith.constant 0 : i32
      %dma_start3A_461 = tpu.memref_slice %arg2[%dma_start3A_460, %multiple_of3A_454] : memref<64x1000000xf32, #tpu.memory_space<hbm>> -> memref<64x128xf32, #tpu.memory_space<hbm>>
      %dma_start3A_462 = arith.constant 0 : i32
      %dma_start3A_463 = arith.constant 0 : i32
      %dma_start3A_464 = tpu.memref_slice %arg8[%dma_start3A_455, %dma_start3A_462, %dma_start3A_463] : memref<8x64x128xf32, #tpu.memory_space<vmem>> -> memref<1x64x128xf32, #tpu.memory_space<vmem>>
      %dma_start3A_465 = tpu.memref_squeeze %dma_start3A_464 : memref<1x64x128xf32, #tpu.memory_space<vmem>> -> memref<64x128xf32, #tpu.memory_space<vmem>>
      %dma_start3A_466 = arith.constant 0 : i32
      %dma_start3A_467 = tpu.memref_slice %arg2[%dma_start3A_466, %multiple_of3A_454] : memref<64x1000000xf32, #tpu.memory_space<hbm>> -> memref<64x128xf32, #tpu.memory_space<hbm>>
      tpu.enqueue_dma source(%dma_start3A_467 : memref<64x128xf32, #tpu.memory_space<hbm>>) target(%dma_start3A_465 : memref<64x128xf32, #tpu.memory_space<vmem>>) target_semaphore(%arg12 : memref<!tpu.dma_semaphore, #tpu.memory_space<semaphore_mem>>)
      %dma_wait3A_468 = arith.constant 3 : i32
      %dma_wait3A_469 = arith.constant 0 : i32
      %dma_wait3A_470 = arith.constant 0 : i32
      %dma_wait3A_471 = tpu.memref_slice %arg8[%dma_wait3A_468, %dma_wait3A_469, %dma_wait3A_470] : memref<8x64x128xf32, #tpu.memory_space<vmem>> -> memref<1x64x128xf32, #tpu.memory_space<vmem>>
      %dma_wait3A_472 = tpu.memref_squeeze %dma_wait3A_471 : memref<1x64x128xf32, #tpu.memory_space<vmem>> -> memref<64x128xf32, #tpu.memory_space<vmem>>
      %dma_wait3A_473 = arith.constant 0 : i32
      %dma_wait3A_474 = arith.constant 0 : i32
      %dma_wait3A_475 = tpu.memref_slice %arg2[%dma_wait3A_473, %dma_wait3A_474] : memref<64x1000000xf32, #tpu.memory_space<hbm>> -> memref<64x128xf32, #tpu.memory_space<hbm>>
      %dma_wait3A_476 = arith.constant 0 : i32
      %dma_wait3A_477 = arith.constant 0 : i32
      %dma_wait3A_478 = tpu.memref_slice %arg8[%dma_wait3A_468, %dma_wait3A_476, %dma_wait3A_477] : memref<8x64x128xf32, #tpu.memory_space<vmem>> -> memref<1x64x128xf32, #tpu.memory_space<vmem>>
      %dma_wait3A_479 = tpu.memref_squeeze %dma_wait3A_478 : memref<1x64x128xf32, #tpu.memory_space<vmem>> -> memref<64x128xf32, #tpu.memory_space<vmem>>
      %dma_wait3A_480 = arith.constant 0 : i32
      %dma_wait3A_481 = arith.constant 0 : i32
      %dma_wait3A_482 = tpu.memref_slice %arg2[%dma_wait3A_480, %dma_wait3A_481] : memref<64x1000000xf32, #tpu.memory_space<hbm>> -> memref<64x128xf32, #tpu.memory_space<hbm>>
      tpu.wait_dma2 semaphore(%arg13 : memref<!tpu.dma_semaphore, #tpu.memory_space<semaphore_mem>>) src(%dma_wait3A_482 : memref<64x128xf32, #tpu.memory_space<hbm>>) dst(%dma_wait3A_479 : memref<64x128xf32, #tpu.memory_space<vmem>>)
      %slice3A_483 = vector.extract_strided_slice %get3A_306 {offsets = [3], sizes = [1], strides = [1]} : vector<16xi32> to vector<1xi32>
      %squeeze3A_484 = vector.extract %slice3A_483[0] : i32 from vector<1xi32>
      %mul3A_485 = arith.constant 8 : i32
      %mul3A_486 = arith.muli %scan3A_302, %mul3A_485 : i32
      %add3A_487 = arith.constant 3 : i32
      %add3A_488 = arith.addi %mul3A_486, %add3A_487 : i32
      %add3A_489 = vector.broadcast %add3A_488 : i32 to vector<16xi32>
      %add3A_490 = arith.addi %broadcast_in_dim3A_3, %add3A_489 : vector<16xi32>
      %ge3A_491 = arith.constant 999936 : i32
      %ge3A_492 = arith.cmpi sge, %squeeze3A_484, %ge3A_491 : i32
      %convert_element_type3A_493 = arith.extui %ge3A_492 : i1 to i32
      %cond3A_494 = arith.constant 0 : i32
      %cond3A_495 = arith.cmpi ne, %convert_element_type3A_493, %cond3A_494 : i32
      scf.if %cond3A_495 {
        %sub3A = arith.constant 999936 : i32
        %sub3A_743 = arith.subi %squeeze3A_484, %sub3A : i32
        %add3A_744 = vector.broadcast %sub3A_743 : i32 to vector<16xi32>
        %add3A_745 = arith.addi %broadcast_in_dim3A_3, %add3A_744 : vector<16xi32>
        %add3A_746 = arith.constant 0 : i32
        %add3A_747 = vector.broadcast %add3A_746 : i32 to vector<16xi32>
        %add3A_748 = arith.addi %iota3A, %add3A_747 : vector<16xi32>
        %gather3A = tpu.vector_load_idx %arg7[%add3A_748, %add3A_745] : memref<64x64xf32, #tpu.memory_space<vmem>>[vector<16xi32>, vector<16xi32>], vector<16xf32>,
        %add3A_749 = arith.constant 0 : i32
        %add3A_750 = vector.broadcast %add3A_749 : i32 to vector<16xi32>
        %add3A_751 = arith.addi %iota3A, %add3A_750 : vector<16xi32>
        tpu.vector_store_idx %arg9[%add3A_751, %add3A_490], %gather3A : memref<64x512xf32, #tpu.memory_space<vmem>>[vector<16xi32>, vector<16xi32>], vector<16xf32>,
        %add3A_752 = arith.constant 16 : i32
        %add3A_753 = vector.broadcast %add3A_752 : i32 to vector<16xi32>
        %add3A_754 = arith.addi %iota3A, %add3A_753 : vector<16xi32>
        %gather3A_755 = tpu.vector_load_idx %arg7[%add3A_754, %add3A_745] : memref<64x64xf32, #tpu.memory_space<vmem>>[vector<16xi32>, vector<16xi32>], vector<16xf32>,
        %add3A_756 = arith.constant 16 : i32
        %add3A_757 = vector.broadcast %add3A_756 : i32 to vector<16xi32>
        %add3A_758 = arith.addi %iota3A, %add3A_757 : vector<16xi32>
        tpu.vector_store_idx %arg9[%add3A_758, %add3A_490], %gather3A_755 : memref<64x512xf32, #tpu.memory_space<vmem>>[vector<16xi32>, vector<16xi32>], vector<16xf32>,
        %add3A_759 = arith.constant 32 : i32
        %add3A_760 = vector.broadcast %add3A_759 : i32 to vector<16xi32>
        %add3A_761 = arith.addi %iota3A, %add3A_760 : vector<16xi32>
        %gather3A_762 = tpu.vector_load_idx %arg7[%add3A_761, %add3A_745] : memref<64x64xf32, #tpu.memory_space<vmem>>[vector<16xi32>, vector<16xi32>], vector<16xf32>,
        %add3A_763 = arith.constant 32 : i32
        %add3A_764 = vector.broadcast %add3A_763 : i32 to vector<16xi32>
        %add3A_765 = arith.addi %iota3A, %add3A_764 : vector<16xi32>
        tpu.vector_store_idx %arg9[%add3A_765, %add3A_490], %gather3A_762 : memref<64x512xf32, #tpu.memory_space<vmem>>[vector<16xi32>, vector<16xi32>], vector<16xf32>,
        %add3A_766 = arith.constant 48 : i32
        %add3A_767 = vector.broadcast %add3A_766 : i32 to vector<16xi32>
        %add3A_768 = arith.addi %iota3A, %add3A_767 : vector<16xi32>
        %gather3A_769 = tpu.vector_load_idx %arg7[%add3A_768, %add3A_745] : memref<64x64xf32, #tpu.memory_space<vmem>>[vector<16xi32>, vector<16xi32>], vector<16xf32>,
        %add3A_770 = arith.constant 48 : i32
        %add3A_771 = vector.broadcast %add3A_770 : i32 to vector<16xi32>
        %add3A_772 = arith.addi %iota3A, %add3A_771 : vector<16xi32>
        tpu.vector_store_idx %arg9[%add3A_772, %add3A_490], %gather3A_769 : memref<64x512xf32, #tpu.memory_space<vmem>>[vector<16xi32>, vector<16xi32>], vector<16xf32>,
      } else {
      }
      %not3A_496 = arith.constant true
      %not3A_497 = arith.xori %ge3A_492, %not3A_496 : i1
      %convert_element_type3A_498 = arith.extui %not3A_497 : i1 to i32
      %cond3A_499 = arith.constant 0 : i32
      %cond3A_500 = arith.cmpi ne, %convert_element_type3A_498, %cond3A_499 : i32
      scf.if %cond3A_500 {
        %and3A = arith.constant 127 : i32
        %and3A_743 = arith.andi %squeeze3A_484, %and3A : i32
        %add3A_744 = vector.broadcast %and3A_743 : i32 to vector<16xi32>
        %add3A_745 = arith.addi %broadcast_in_dim3A_3, %add3A_744 : vector<16xi32>
        %add3A_746 = arith.constant 0 : i32
        %add3A_747 = vector.broadcast %add3A_746 : i32 to vector<16xi32>
        %add3A_748 = arith.addi %iota3A, %add3A_747 : vector<16xi32>
        %gather3A = arith.constant 3 : i32
        %gather3A_749 = arith.constant 0 : i32
        %gather3A_750 = arith.constant 0 : i32
        %gather3A_751 = tpu.memref_slice %arg8[%gather3A, %gather3A_749, %gather3A_750] : memref<8x64x128xf32, #tpu.memory_space<vmem>> -> memref<1x64x128xf32, #tpu.memory_space<vmem>>
        %gather3A_752 = tpu.memref_squeeze %gather3A_751 : memref<1x64x128xf32, #tpu.memory_space<vmem>> -> memref<64x128xf32, #tpu.memory_space<vmem>>
        %gather3A_753 = tpu.vector_load_idx %gather3A_752[%add3A_748, %add3A_745] : memref<64x128xf32, #tpu.memory_space<vmem>>[vector<16xi32>, vector<16xi32>], vector<16xf32>,
        %add3A_754 = arith.constant 0 : i32
        %add3A_755 = vector.broadcast %add3A_754 : i32 to vector<16xi32>
        %add3A_756 = arith.addi %iota3A, %add3A_755 : vector<16xi32>
        tpu.vector_store_idx %arg9[%add3A_756, %add3A_490], %gather3A_753 : memref<64x512xf32, #tpu.memory_space<vmem>>[vector<16xi32>, vector<16xi32>], vector<16xf32>,
        %add3A_757 = arith.constant 16 : i32
        %add3A_758 = vector.broadcast %add3A_757 : i32 to vector<16xi32>
        %add3A_759 = arith.addi %iota3A, %add3A_758 : vector<16xi32>
        %gather3A_760 = arith.constant 3 : i32
        %gather3A_761 = arith.constant 0 : i32
        %gather3A_762 = arith.constant 0 : i32
        %gather3A_763 = tpu.memref_slice %arg8[%gather3A_760, %gather3A_761, %gather3A_762] : memref<8x64x128xf32, #tpu.memory_space<vmem>> -> memref<1x64x128xf32, #tpu.memory_space<vmem>>
        %gather3A_764 = tpu.memref_squeeze %gather3A_763 : memref<1x64x128xf32, #tpu.memory_space<vmem>> -> memref<64x128xf32, #tpu.memory_space<vmem>>
        %gather3A_765 = tpu.vector_load_idx %gather3A_764[%add3A_759, %add3A_745] : memref<64x128xf32, #tpu.memory_space<vmem>>[vector<16xi32>, vector<16xi32>], vector<16xf32>,
        %add3A_766 = arith.constant 16 : i32
        %add3A_767 = vector.broadcast %add3A_766 : i32 to vector<16xi32>
        %add3A_768 = arith.addi %iota3A, %add3A_767 : vector<16xi32>
        tpu.vector_store_idx %arg9[%add3A_768, %add3A_490], %gather3A_765 : memref<64x512xf32, #tpu.memory_space<vmem>>[vector<16xi32>, vector<16xi32>], vector<16xf32>,
        %add3A_769 = arith.constant 32 : i32
        %add3A_770 = vector.broadcast %add3A_769 : i32 to vector<16xi32>
        %add3A_771 = arith.addi %iota3A, %add3A_770 : vector<16xi32>
        %gather3A_772 = arith.constant 3 : i32
        %gather3A_773 = arith.constant 0 : i32
        %gather3A_774 = arith.constant 0 : i32
        %gather3A_775 = tpu.memref_slice %arg8[%gather3A_772, %gather3A_773, %gather3A_774] : memref<8x64x128xf32, #tpu.memory_space<vmem>> -> memref<1x64x128xf32, #tpu.memory_space<vmem>>
        %gather3A_776 = tpu.memref_squeeze %gather3A_775 : memref<1x64x128xf32, #tpu.memory_space<vmem>> -> memref<64x128xf32, #tpu.memory_space<vmem>>
        %gather3A_777 = tpu.vector_load_idx %gather3A_776[%add3A_771, %add3A_745] : memref<64x128xf32, #tpu.memory_space<vmem>>[vector<16xi32>, vector<16xi32>], vector<16xf32>,
        %add3A_778 = arith.constant 32 : i32
        %add3A_779 = vector.broadcast %add3A_778 : i32 to vector<16xi32>
        %add3A_780 = arith.addi %iota3A, %add3A_779 : vector<16xi32>
        tpu.vector_store_idx %arg9[%add3A_780, %add3A_490], %gather3A_777 : memref<64x512xf32, #tpu.memory_space<vmem>>[vector<16xi32>, vector<16xi32>], vector<16xf32>,
        %add3A_781 = arith.constant 48 : i32
        %add3A_782 = vector.broadcast %add3A_781 : i32 to vector<16xi32>
        %add3A_783 = arith.addi %iota3A, %add3A_782 : vector<16xi32>
        %gather3A_784 = arith.constant 3 : i32
        %gather3A_785 = arith.constant 0 : i32
        %gather3A_786 = arith.constant 0 : i32
        %gather3A_787 = tpu.memref_slice %arg8[%gather3A_784, %gather3A_785, %gather3A_786] : memref<8x64x128xf32, #tpu.memory_space<vmem>> -> memref<1x64x128xf32, #tpu.memory_space<vmem>>
        %gather3A_788 = tpu.memref_squeeze %gather3A_787 : memref<1x64x128xf32, #tpu.memory_space<vmem>> -> memref<64x128xf32, #tpu.memory_space<vmem>>
        %gather3A_789 = tpu.vector_load_idx %gather3A_788[%add3A_783, %add3A_745] : memref<64x128xf32, #tpu.memory_space<vmem>>[vector<16xi32>, vector<16xi32>], vector<16xf32>,
        %add3A_790 = arith.constant 48 : i32
        %add3A_791 = vector.broadcast %add3A_790 : i32 to vector<16xi32>
        %add3A_792 = arith.addi %iota3A, %add3A_791 : vector<16xi32>
        tpu.vector_store_idx %arg9[%add3A_792, %add3A_490], %gather3A_789 : memref<64x512xf32, #tpu.memory_space<vmem>>[vector<16xi32>, vector<16xi32>], vector<16xf32>,
      } else {
      }
      %slice3A_501 = vector.extract_strided_slice %get3A_306 {offsets = [11], sizes = [1], strides = [1]} : vector<16xi32> to vector<1xi32>
      %squeeze3A_502 = vector.extract %slice3A_501[0] : i32 from vector<1xi32>
      %shift_right_logical3A_503 = arith.constant 7 : i32
      %shift_right_logical3A_504 = arith.shrui %squeeze3A_502, %shift_right_logical3A_503 : i32
      %min3A_505 = arith.constant 7811 : i32
      %min3A_506 = arith.minsi %shift_right_logical3A_504, %min3A_505 : i32
      %mul3A_507 = arith.constant 128 : i32
      %mul3A_508 = arith.muli %min3A_506, %mul3A_507 : i32
      %multiple_of3A_509 = tpu.assume_multiple %mul3A_508, 128 : i32
      %dma_start3A_510 = arith.constant 3 : i32
      %dma_start3A_511 = arith.constant 0 : i32
      %dma_start3A_512 = arith.constant 0 : i32
      %dma_start3A_513 = tpu.memref_slice %arg8[%dma_start3A_510, %dma_start3A_511, %dma_start3A_512] : memref<8x64x128xf32, #tpu.memory_space<vmem>> -> memref<1x64x128xf32, #tpu.memory_space<vmem>>
      %dma_start3A_514 = tpu.memref_squeeze %dma_start3A_513 : memref<1x64x128xf32, #tpu.memory_space<vmem>> -> memref<64x128xf32, #tpu.memory_space<vmem>>
      %dma_start3A_515 = arith.constant 0 : i32
      %dma_start3A_516 = tpu.memref_slice %arg2[%dma_start3A_515, %multiple_of3A_509] : memref<64x1000000xf32, #tpu.memory_space<hbm>> -> memref<64x128xf32, #tpu.memory_space<hbm>>
      %dma_start3A_517 = arith.constant 0 : i32
      %dma_start3A_518 = arith.constant 0 : i32
      %dma_start3A_519 = tpu.memref_slice %arg8[%dma_start3A_510, %dma_start3A_517, %dma_start3A_518] : memref<8x64x128xf32, #tpu.memory_space<vmem>> -> memref<1x64x128xf32, #tpu.memory_space<vmem>>
      %dma_start3A_520 = tpu.memref_squeeze %dma_start3A_519 : memref<1x64x128xf32, #tpu.memory_space<vmem>> -> memref<64x128xf32, #tpu.memory_space<vmem>>
      %dma_start3A_521 = arith.constant 0 : i32
      %dma_start3A_522 = tpu.memref_slice %arg2[%dma_start3A_521, %multiple_of3A_509] : memref<64x1000000xf32, #tpu.memory_space<hbm>> -> memref<64x128xf32, #tpu.memory_space<hbm>>
      tpu.enqueue_dma source(%dma_start3A_522 : memref<64x128xf32, #tpu.memory_space<hbm>>) target(%dma_start3A_520 : memref<64x128xf32, #tpu.memory_space<vmem>>) target_semaphore(%arg13 : memref<!tpu.dma_semaphore, #tpu.memory_space<semaphore_mem>>)
      %dma_wait3A_523 = arith.constant 4 : i32
      %dma_wait3A_524 = arith.constant 0 : i32
      %dma_wait3A_525 = arith.constant 0 : i32
      %dma_wait3A_526 = tpu.memref_slice %arg8[%dma_wait3A_523, %dma_wait3A_524, %dma_wait3A_525] : memref<8x64x128xf32, #tpu.memory_space<vmem>> -> memref<1x64x128xf32, #tpu.memory_space<vmem>>
      %dma_wait3A_527 = tpu.memref_squeeze %dma_wait3A_526 : memref<1x64x128xf32, #tpu.memory_space<vmem>> -> memref<64x128xf32, #tpu.memory_space<vmem>>
      %dma_wait3A_528 = arith.constant 0 : i32
      %dma_wait3A_529 = arith.constant 0 : i32
      %dma_wait3A_530 = tpu.memref_slice %arg2[%dma_wait3A_528, %dma_wait3A_529] : memref<64x1000000xf32, #tpu.memory_space<hbm>> -> memref<64x128xf32, #tpu.memory_space<hbm>>
      %dma_wait3A_531 = arith.constant 0 : i32
      %dma_wait3A_532 = arith.constant 0 : i32
      %dma_wait3A_533 = tpu.memref_slice %arg8[%dma_wait3A_523, %dma_wait3A_531, %dma_wait3A_532] : memref<8x64x128xf32, #tpu.memory_space<vmem>> -> memref<1x64x128xf32, #tpu.memory_space<vmem>>
      %dma_wait3A_534 = tpu.memref_squeeze %dma_wait3A_533 : memref<1x64x128xf32, #tpu.memory_space<vmem>> -> memref<64x128xf32, #tpu.memory_space<vmem>>
      %dma_wait3A_535 = arith.constant 0 : i32
      %dma_wait3A_536 = arith.constant 0 : i32
      %dma_wait3A_537 = tpu.memref_slice %arg2[%dma_wait3A_535, %dma_wait3A_536] : memref<64x1000000xf32, #tpu.memory_space<hbm>> -> memref<64x128xf32, #tpu.memory_space<hbm>>
      tpu.wait_dma2 semaphore(%arg14 : memref<!tpu.dma_semaphore, #tpu.memory_space<semaphore_mem>>) src(%dma_wait3A_537 : memref<64x128xf32, #tpu.memory_space<hbm>>) dst(%dma_wait3A_534 : memref<64x128xf32, #tpu.memory_space<vmem>>)
      %slice3A_538 = vector.extract_strided_slice %get3A_306 {offsets = [4], sizes = [1], strides = [1]} : vector<16xi32> to vector<1xi32>
      %squeeze3A_539 = vector.extract %slice3A_538[0] : i32 from vector<1xi32>
      %mul3A_540 = arith.constant 8 : i32
      %mul3A_541 = arith.muli %scan3A_302, %mul3A_540 : i32
      %add3A_542 = arith.constant 4 : i32
      %add3A_543 = arith.addi %mul3A_541, %add3A_542 : i32
      %add3A_544 = vector.broadcast %add3A_543 : i32 to vector<16xi32>
      %add3A_545 = arith.addi %broadcast_in_dim3A_3, %add3A_544 : vector<16xi32>
      %ge3A_546 = arith.constant 999936 : i32
      %ge3A_547 = arith.cmpi sge, %squeeze3A_539, %ge3A_546 : i32
      %convert_element_type3A_548 = arith.extui %ge3A_547 : i1 to i32
      %cond3A_549 = arith.constant 0 : i32
      %cond3A_550 = arith.cmpi ne, %convert_element_type3A_548, %cond3A_549 : i32
      scf.if %cond3A_550 {
        %sub3A = arith.constant 999936 : i32
        %sub3A_743 = arith.subi %squeeze3A_539, %sub3A : i32
        %add3A_744 = vector.broadcast %sub3A_743 : i32 to vector<16xi32>
        %add3A_745 = arith.addi %broadcast_in_dim3A_3, %add3A_744 : vector<16xi32>
        %add3A_746 = arith.constant 0 : i32
        %add3A_747 = vector.broadcast %add3A_746 : i32 to vector<16xi32>
        %add3A_748 = arith.addi %iota3A, %add3A_747 : vector<16xi32>
        %gather3A = tpu.vector_load_idx %arg7[%add3A_748, %add3A_745] : memref<64x64xf32, #tpu.memory_space<vmem>>[vector<16xi32>, vector<16xi32>], vector<16xf32>,
        %add3A_749 = arith.constant 0 : i32
        %add3A_750 = vector.broadcast %add3A_749 : i32 to vector<16xi32>
        %add3A_751 = arith.addi %iota3A, %add3A_750 : vector<16xi32>
        tpu.vector_store_idx %arg9[%add3A_751, %add3A_545], %gather3A : memref<64x512xf32, #tpu.memory_space<vmem>>[vector<16xi32>, vector<16xi32>], vector<16xf32>,
        %add3A_752 = arith.constant 16 : i32
        %add3A_753 = vector.broadcast %add3A_752 : i32 to vector<16xi32>
        %add3A_754 = arith.addi %iota3A, %add3A_753 : vector<16xi32>
        %gather3A_755 = tpu.vector_load_idx %arg7[%add3A_754, %add3A_745] : memref<64x64xf32, #tpu.memory_space<vmem>>[vector<16xi32>, vector<16xi32>], vector<16xf32>,
        %add3A_756 = arith.constant 16 : i32
        %add3A_757 = vector.broadcast %add3A_756 : i32 to vector<16xi32>
        %add3A_758 = arith.addi %iota3A, %add3A_757 : vector<16xi32>
        tpu.vector_store_idx %arg9[%add3A_758, %add3A_545], %gather3A_755 : memref<64x512xf32, #tpu.memory_space<vmem>>[vector<16xi32>, vector<16xi32>], vector<16xf32>,
        %add3A_759 = arith.constant 32 : i32
        %add3A_760 = vector.broadcast %add3A_759 : i32 to vector<16xi32>
        %add3A_761 = arith.addi %iota3A, %add3A_760 : vector<16xi32>
        %gather3A_762 = tpu.vector_load_idx %arg7[%add3A_761, %add3A_745] : memref<64x64xf32, #tpu.memory_space<vmem>>[vector<16xi32>, vector<16xi32>], vector<16xf32>,
        %add3A_763 = arith.constant 32 : i32
        %add3A_764 = vector.broadcast %add3A_763 : i32 to vector<16xi32>
        %add3A_765 = arith.addi %iota3A, %add3A_764 : vector<16xi32>
        tpu.vector_store_idx %arg9[%add3A_765, %add3A_545], %gather3A_762 : memref<64x512xf32, #tpu.memory_space<vmem>>[vector<16xi32>, vector<16xi32>], vector<16xf32>,
        %add3A_766 = arith.constant 48 : i32
        %add3A_767 = vector.broadcast %add3A_766 : i32 to vector<16xi32>
        %add3A_768 = arith.addi %iota3A, %add3A_767 : vector<16xi32>
        %gather3A_769 = tpu.vector_load_idx %arg7[%add3A_768, %add3A_745] : memref<64x64xf32, #tpu.memory_space<vmem>>[vector<16xi32>, vector<16xi32>], vector<16xf32>,
        %add3A_770 = arith.constant 48 : i32
        %add3A_771 = vector.broadcast %add3A_770 : i32 to vector<16xi32>
        %add3A_772 = arith.addi %iota3A, %add3A_771 : vector<16xi32>
        tpu.vector_store_idx %arg9[%add3A_772, %add3A_545], %gather3A_769 : memref<64x512xf32, #tpu.memory_space<vmem>>[vector<16xi32>, vector<16xi32>], vector<16xf32>,
      } else {
      }
      %not3A_551 = arith.constant true
      %not3A_552 = arith.xori %ge3A_547, %not3A_551 : i1
      %convert_element_type3A_553 = arith.extui %not3A_552 : i1 to i32
      %cond3A_554 = arith.constant 0 : i32
      %cond3A_555 = arith.cmpi ne, %convert_element_type3A_553, %cond3A_554 : i32
      scf.if %cond3A_555 {
        %and3A = arith.constant 127 : i32
        %and3A_743 = arith.andi %squeeze3A_539, %and3A : i32
        %add3A_744 = vector.broadcast %and3A_743 : i32 to vector<16xi32>
        %add3A_745 = arith.addi %broadcast_in_dim3A_3, %add3A_744 : vector<16xi32>
        %add3A_746 = arith.constant 0 : i32
        %add3A_747 = vector.broadcast %add3A_746 : i32 to vector<16xi32>
        %add3A_748 = arith.addi %iota3A, %add3A_747 : vector<16xi32>
        %gather3A = arith.constant 4 : i32
        %gather3A_749 = arith.constant 0 : i32
        %gather3A_750 = arith.constant 0 : i32
        %gather3A_751 = tpu.memref_slice %arg8[%gather3A, %gather3A_749, %gather3A_750] : memref<8x64x128xf32, #tpu.memory_space<vmem>> -> memref<1x64x128xf32, #tpu.memory_space<vmem>>
        %gather3A_752 = tpu.memref_squeeze %gather3A_751 : memref<1x64x128xf32, #tpu.memory_space<vmem>> -> memref<64x128xf32, #tpu.memory_space<vmem>>
        %gather3A_753 = tpu.vector_load_idx %gather3A_752[%add3A_748, %add3A_745] : memref<64x128xf32, #tpu.memory_space<vmem>>[vector<16xi32>, vector<16xi32>], vector<16xf32>,
        %add3A_754 = arith.constant 0 : i32
        %add3A_755 = vector.broadcast %add3A_754 : i32 to vector<16xi32>
        %add3A_756 = arith.addi %iota3A, %add3A_755 : vector<16xi32>
        tpu.vector_store_idx %arg9[%add3A_756, %add3A_545], %gather3A_753 : memref<64x512xf32, #tpu.memory_space<vmem>>[vector<16xi32>, vector<16xi32>], vector<16xf32>,
        %add3A_757 = arith.constant 16 : i32
        %add3A_758 = vector.broadcast %add3A_757 : i32 to vector<16xi32>
        %add3A_759 = arith.addi %iota3A, %add3A_758 : vector<16xi32>
        %gather3A_760 = arith.constant 4 : i32
        %gather3A_761 = arith.constant 0 : i32
        %gather3A_762 = arith.constant 0 : i32
        %gather3A_763 = tpu.memref_slice %arg8[%gather3A_760, %gather3A_761, %gather3A_762] : memref<8x64x128xf32, #tpu.memory_space<vmem>> -> memref<1x64x128xf32, #tpu.memory_space<vmem>>
        %gather3A_764 = tpu.memref_squeeze %gather3A_763 : memref<1x64x128xf32, #tpu.memory_space<vmem>> -> memref<64x128xf32, #tpu.memory_space<vmem>>
        %gather3A_765 = tpu.vector_load_idx %gather3A_764[%add3A_759, %add3A_745] : memref<64x128xf32, #tpu.memory_space<vmem>>[vector<16xi32>, vector<16xi32>], vector<16xf32>,
        %add3A_766 = arith.constant 16 : i32
        %add3A_767 = vector.broadcast %add3A_766 : i32 to vector<16xi32>
        %add3A_768 = arith.addi %iota3A, %add3A_767 : vector<16xi32>
        tpu.vector_store_idx %arg9[%add3A_768, %add3A_545], %gather3A_765 : memref<64x512xf32, #tpu.memory_space<vmem>>[vector<16xi32>, vector<16xi32>], vector<16xf32>,
        %add3A_769 = arith.constant 32 : i32
        %add3A_770 = vector.broadcast %add3A_769 : i32 to vector<16xi32>
        %add3A_771 = arith.addi %iota3A, %add3A_770 : vector<16xi32>
        %gather3A_772 = arith.constant 4 : i32
        %gather3A_773 = arith.constant 0 : i32
        %gather3A_774 = arith.constant 0 : i32
        %gather3A_775 = tpu.memref_slice %arg8[%gather3A_772, %gather3A_773, %gather3A_774] : memref<8x64x128xf32, #tpu.memory_space<vmem>> -> memref<1x64x128xf32, #tpu.memory_space<vmem>>
        %gather3A_776 = tpu.memref_squeeze %gather3A_775 : memref<1x64x128xf32, #tpu.memory_space<vmem>> -> memref<64x128xf32, #tpu.memory_space<vmem>>
        %gather3A_777 = tpu.vector_load_idx %gather3A_776[%add3A_771, %add3A_745] : memref<64x128xf32, #tpu.memory_space<vmem>>[vector<16xi32>, vector<16xi32>], vector<16xf32>,
        %add3A_778 = arith.constant 32 : i32
        %add3A_779 = vector.broadcast %add3A_778 : i32 to vector<16xi32>
        %add3A_780 = arith.addi %iota3A, %add3A_779 : vector<16xi32>
        tpu.vector_store_idx %arg9[%add3A_780, %add3A_545], %gather3A_777 : memref<64x512xf32, #tpu.memory_space<vmem>>[vector<16xi32>, vector<16xi32>], vector<16xf32>,
        %add3A_781 = arith.constant 48 : i32
        %add3A_782 = vector.broadcast %add3A_781 : i32 to vector<16xi32>
        %add3A_783 = arith.addi %iota3A, %add3A_782 : vector<16xi32>
        %gather3A_784 = arith.constant 4 : i32
        %gather3A_785 = arith.constant 0 : i32
        %gather3A_786 = arith.constant 0 : i32
        %gather3A_787 = tpu.memref_slice %arg8[%gather3A_784, %gather3A_785, %gather3A_786] : memref<8x64x128xf32, #tpu.memory_space<vmem>> -> memref<1x64x128xf32, #tpu.memory_space<vmem>>
        %gather3A_788 = tpu.memref_squeeze %gather3A_787 : memref<1x64x128xf32, #tpu.memory_space<vmem>> -> memref<64x128xf32, #tpu.memory_space<vmem>>
        %gather3A_789 = tpu.vector_load_idx %gather3A_788[%add3A_783, %add3A_745] : memref<64x128xf32, #tpu.memory_space<vmem>>[vector<16xi32>, vector<16xi32>], vector<16xf32>,
        %add3A_790 = arith.constant 48 : i32
        %add3A_791 = vector.broadcast %add3A_790 : i32 to vector<16xi32>
        %add3A_792 = arith.addi %iota3A, %add3A_791 : vector<16xi32>
        tpu.vector_store_idx %arg9[%add3A_792, %add3A_545], %gather3A_789 : memref<64x512xf32, #tpu.memory_space<vmem>>[vector<16xi32>, vector<16xi32>], vector<16xf32>,
      } else {
      }
      %slice3A_556 = vector.extract_strided_slice %get3A_306 {offsets = [12], sizes = [1], strides = [1]} : vector<16xi32> to vector<1xi32>
      %squeeze3A_557 = vector.extract %slice3A_556[0] : i32 from vector<1xi32>
      %shift_right_logical3A_558 = arith.constant 7 : i32
      %shift_right_logical3A_559 = arith.shrui %squeeze3A_557, %shift_right_logical3A_558 : i32
      %min3A_560 = arith.constant 7811 : i32
      %min3A_561 = arith.minsi %shift_right_logical3A_559, %min3A_560 : i32
      %mul3A_562 = arith.constant 128 : i32
      %mul3A_563 = arith.muli %min3A_561, %mul3A_562 : i32
      %multiple_of3A_564 = tpu.assume_multiple %mul3A_563, 128 : i32
      %dma_start3A_565 = arith.constant 4 : i32
      %dma_start3A_566 = arith.constant 0 : i32
      %dma_start3A_567 = arith.constant 0 : i32
      %dma_start3A_568 = tpu.memref_slice %arg8[%dma_start3A_565, %dma_start3A_566, %dma_start3A_567] : memref<8x64x128xf32, #tpu.memory_space<vmem>> -> memref<1x64x128xf32, #tpu.memory_space<vmem>>
      %dma_start3A_569 = tpu.memref_squeeze %dma_start3A_568 : memref<1x64x128xf32, #tpu.memory_space<vmem>> -> memref<64x128xf32, #tpu.memory_space<vmem>>
      %dma_start3A_570 = arith.constant 0 : i32
      %dma_start3A_571 = tpu.memref_slice %arg2[%dma_start3A_570, %multiple_of3A_564] : memref<64x1000000xf32, #tpu.memory_space<hbm>> -> memref<64x128xf32, #tpu.memory_space<hbm>>
      %dma_start3A_572 = arith.constant 0 : i32
      %dma_start3A_573 = arith.constant 0 : i32
      %dma_start3A_574 = tpu.memref_slice %arg8[%dma_start3A_565, %dma_start3A_572, %dma_start3A_573] : memref<8x64x128xf32, #tpu.memory_space<vmem>> -> memref<1x64x128xf32, #tpu.memory_space<vmem>>
      %dma_start3A_575 = tpu.memref_squeeze %dma_start3A_574 : memref<1x64x128xf32, #tpu.memory_space<vmem>> -> memref<64x128xf32, #tpu.memory_space<vmem>>
      %dma_start3A_576 = arith.constant 0 : i32
      %dma_start3A_577 = tpu.memref_slice %arg2[%dma_start3A_576, %multiple_of3A_564] : memref<64x1000000xf32, #tpu.memory_space<hbm>> -> memref<64x128xf32, #tpu.memory_space<hbm>>
      tpu.enqueue_dma source(%dma_start3A_577 : memref<64x128xf32, #tpu.memory_space<hbm>>) target(%dma_start3A_575 : memref<64x128xf32, #tpu.memory_space<vmem>>) target_semaphore(%arg14 : memref<!tpu.dma_semaphore, #tpu.memory_space<semaphore_mem>>)
      %dma_wait3A_578 = arith.constant 5 : i32
      %dma_wait3A_579 = arith.constant 0 : i32
      %dma_wait3A_580 = arith.constant 0 : i32
      %dma_wait3A_581 = tpu.memref_slice %arg8[%dma_wait3A_578, %dma_wait3A_579, %dma_wait3A_580] : memref<8x64x128xf32, #tpu.memory_space<vmem>> -> memref<1x64x128xf32, #tpu.memory_space<vmem>>
      %dma_wait3A_582 = tpu.memref_squeeze %dma_wait3A_581 : memref<1x64x128xf32, #tpu.memory_space<vmem>> -> memref<64x128xf32, #tpu.memory_space<vmem>>
      %dma_wait3A_583 = arith.constant 0 : i32
      %dma_wait3A_584 = arith.constant 0 : i32
      %dma_wait3A_585 = tpu.memref_slice %arg2[%dma_wait3A_583, %dma_wait3A_584] : memref<64x1000000xf32, #tpu.memory_space<hbm>> -> memref<64x128xf32, #tpu.memory_space<hbm>>
      %dma_wait3A_586 = arith.constant 0 : i32
      %dma_wait3A_587 = arith.constant 0 : i32
      %dma_wait3A_588 = tpu.memref_slice %arg8[%dma_wait3A_578, %dma_wait3A_586, %dma_wait3A_587] : memref<8x64x128xf32, #tpu.memory_space<vmem>> -> memref<1x64x128xf32, #tpu.memory_space<vmem>>
      %dma_wait3A_589 = tpu.memref_squeeze %dma_wait3A_588 : memref<1x64x128xf32, #tpu.memory_space<vmem>> -> memref<64x128xf32, #tpu.memory_space<vmem>>
      %dma_wait3A_590 = arith.constant 0 : i32
      %dma_wait3A_591 = arith.constant 0 : i32
      %dma_wait3A_592 = tpu.memref_slice %arg2[%dma_wait3A_590, %dma_wait3A_591] : memref<64x1000000xf32, #tpu.memory_space<hbm>> -> memref<64x128xf32, #tpu.memory_space<hbm>>
      tpu.wait_dma2 semaphore(%arg15 : memref<!tpu.dma_semaphore, #tpu.memory_space<semaphore_mem>>) src(%dma_wait3A_592 : memref<64x128xf32, #tpu.memory_space<hbm>>) dst(%dma_wait3A_589 : memref<64x128xf32, #tpu.memory_space<vmem>>)
      %slice3A_593 = vector.extract_strided_slice %get3A_306 {offsets = [5], sizes = [1], strides = [1]} : vector<16xi32> to vector<1xi32>
      %squeeze3A_594 = vector.extract %slice3A_593[0] : i32 from vector<1xi32>
      %mul3A_595 = arith.constant 8 : i32
      %mul3A_596 = arith.muli %scan3A_302, %mul3A_595 : i32
      %add3A_597 = arith.constant 5 : i32
      %add3A_598 = arith.addi %mul3A_596, %add3A_597 : i32
      %add3A_599 = vector.broadcast %add3A_598 : i32 to vector<16xi32>
      %add3A_600 = arith.addi %broadcast_in_dim3A_3, %add3A_599 : vector<16xi32>
      %ge3A_601 = arith.constant 999936 : i32
      %ge3A_602 = arith.cmpi sge, %squeeze3A_594, %ge3A_601 : i32
      %convert_element_type3A_603 = arith.extui %ge3A_602 : i1 to i32
      %cond3A_604 = arith.constant 0 : i32
      %cond3A_605 = arith.cmpi ne, %convert_element_type3A_603, %cond3A_604 : i32
      scf.if %cond3A_605 {
        %sub3A = arith.constant 999936 : i32
        %sub3A_743 = arith.subi %squeeze3A_594, %sub3A : i32
        %add3A_744 = vector.broadcast %sub3A_743 : i32 to vector<16xi32>
        %add3A_745 = arith.addi %broadcast_in_dim3A_3, %add3A_744 : vector<16xi32>
        %add3A_746 = arith.constant 0 : i32
        %add3A_747 = vector.broadcast %add3A_746 : i32 to vector<16xi32>
        %add3A_748 = arith.addi %iota3A, %add3A_747 : vector<16xi32>
        %gather3A = tpu.vector_load_idx %arg7[%add3A_748, %add3A_745] : memref<64x64xf32, #tpu.memory_space<vmem>>[vector<16xi32>, vector<16xi32>], vector<16xf32>,
        %add3A_749 = arith.constant 0 : i32
        %add3A_750 = vector.broadcast %add3A_749 : i32 to vector<16xi32>
        %add3A_751 = arith.addi %iota3A, %add3A_750 : vector<16xi32>
        tpu.vector_store_idx %arg9[%add3A_751, %add3A_600], %gather3A : memref<64x512xf32, #tpu.memory_space<vmem>>[vector<16xi32>, vector<16xi32>], vector<16xf32>,
        %add3A_752 = arith.constant 16 : i32
        %add3A_753 = vector.broadcast %add3A_752 : i32 to vector<16xi32>
        %add3A_754 = arith.addi %iota3A, %add3A_753 : vector<16xi32>
        %gather3A_755 = tpu.vector_load_idx %arg7[%add3A_754, %add3A_745] : memref<64x64xf32, #tpu.memory_space<vmem>>[vector<16xi32>, vector<16xi32>], vector<16xf32>,
        %add3A_756 = arith.constant 16 : i32
        %add3A_757 = vector.broadcast %add3A_756 : i32 to vector<16xi32>
        %add3A_758 = arith.addi %iota3A, %add3A_757 : vector<16xi32>
        tpu.vector_store_idx %arg9[%add3A_758, %add3A_600], %gather3A_755 : memref<64x512xf32, #tpu.memory_space<vmem>>[vector<16xi32>, vector<16xi32>], vector<16xf32>,
        %add3A_759 = arith.constant 32 : i32
        %add3A_760 = vector.broadcast %add3A_759 : i32 to vector<16xi32>
        %add3A_761 = arith.addi %iota3A, %add3A_760 : vector<16xi32>
        %gather3A_762 = tpu.vector_load_idx %arg7[%add3A_761, %add3A_745] : memref<64x64xf32, #tpu.memory_space<vmem>>[vector<16xi32>, vector<16xi32>], vector<16xf32>,
        %add3A_763 = arith.constant 32 : i32
        %add3A_764 = vector.broadcast %add3A_763 : i32 to vector<16xi32>
        %add3A_765 = arith.addi %iota3A, %add3A_764 : vector<16xi32>
        tpu.vector_store_idx %arg9[%add3A_765, %add3A_600], %gather3A_762 : memref<64x512xf32, #tpu.memory_space<vmem>>[vector<16xi32>, vector<16xi32>], vector<16xf32>,
        %add3A_766 = arith.constant 48 : i32
        %add3A_767 = vector.broadcast %add3A_766 : i32 to vector<16xi32>
        %add3A_768 = arith.addi %iota3A, %add3A_767 : vector<16xi32>
        %gather3A_769 = tpu.vector_load_idx %arg7[%add3A_768, %add3A_745] : memref<64x64xf32, #tpu.memory_space<vmem>>[vector<16xi32>, vector<16xi32>], vector<16xf32>,
        %add3A_770 = arith.constant 48 : i32
        %add3A_771 = vector.broadcast %add3A_770 : i32 to vector<16xi32>
        %add3A_772 = arith.addi %iota3A, %add3A_771 : vector<16xi32>
        tpu.vector_store_idx %arg9[%add3A_772, %add3A_600], %gather3A_769 : memref<64x512xf32, #tpu.memory_space<vmem>>[vector<16xi32>, vector<16xi32>], vector<16xf32>,
      } else {
      }
      %not3A_606 = arith.constant true
      %not3A_607 = arith.xori %ge3A_602, %not3A_606 : i1
      %convert_element_type3A_608 = arith.extui %not3A_607 : i1 to i32
      %cond3A_609 = arith.constant 0 : i32
      %cond3A_610 = arith.cmpi ne, %convert_element_type3A_608, %cond3A_609 : i32
      scf.if %cond3A_610 {
        %and3A = arith.constant 127 : i32
        %and3A_743 = arith.andi %squeeze3A_594, %and3A : i32
        %add3A_744 = vector.broadcast %and3A_743 : i32 to vector<16xi32>
        %add3A_745 = arith.addi %broadcast_in_dim3A_3, %add3A_744 : vector<16xi32>
        %add3A_746 = arith.constant 0 : i32
        %add3A_747 = vector.broadcast %add3A_746 : i32 to vector<16xi32>
        %add3A_748 = arith.addi %iota3A, %add3A_747 : vector<16xi32>
        %gather3A = arith.constant 5 : i32
        %gather3A_749 = arith.constant 0 : i32
        %gather3A_750 = arith.constant 0 : i32
        %gather3A_751 = tpu.memref_slice %arg8[%gather3A, %gather3A_749, %gather3A_750] : memref<8x64x128xf32, #tpu.memory_space<vmem>> -> memref<1x64x128xf32, #tpu.memory_space<vmem>>
        %gather3A_752 = tpu.memref_squeeze %gather3A_751 : memref<1x64x128xf32, #tpu.memory_space<vmem>> -> memref<64x128xf32, #tpu.memory_space<vmem>>
        %gather3A_753 = tpu.vector_load_idx %gather3A_752[%add3A_748, %add3A_745] : memref<64x128xf32, #tpu.memory_space<vmem>>[vector<16xi32>, vector<16xi32>], vector<16xf32>,
        %add3A_754 = arith.constant 0 : i32
        %add3A_755 = vector.broadcast %add3A_754 : i32 to vector<16xi32>
        %add3A_756 = arith.addi %iota3A, %add3A_755 : vector<16xi32>
        tpu.vector_store_idx %arg9[%add3A_756, %add3A_600], %gather3A_753 : memref<64x512xf32, #tpu.memory_space<vmem>>[vector<16xi32>, vector<16xi32>], vector<16xf32>,
        %add3A_757 = arith.constant 16 : i32
        %add3A_758 = vector.broadcast %add3A_757 : i32 to vector<16xi32>
        %add3A_759 = arith.addi %iota3A, %add3A_758 : vector<16xi32>
        %gather3A_760 = arith.constant 5 : i32
        %gather3A_761 = arith.constant 0 : i32
        %gather3A_762 = arith.constant 0 : i32
        %gather3A_763 = tpu.memref_slice %arg8[%gather3A_760, %gather3A_761, %gather3A_762] : memref<8x64x128xf32, #tpu.memory_space<vmem>> -> memref<1x64x128xf32, #tpu.memory_space<vmem>>
        %gather3A_764 = tpu.memref_squeeze %gather3A_763 : memref<1x64x128xf32, #tpu.memory_space<vmem>> -> memref<64x128xf32, #tpu.memory_space<vmem>>
        %gather3A_765 = tpu.vector_load_idx %gather3A_764[%add3A_759, %add3A_745] : memref<64x128xf32, #tpu.memory_space<vmem>>[vector<16xi32>, vector<16xi32>], vector<16xf32>,
        %add3A_766 = arith.constant 16 : i32
        %add3A_767 = vector.broadcast %add3A_766 : i32 to vector<16xi32>
        %add3A_768 = arith.addi %iota3A, %add3A_767 : vector<16xi32>
        tpu.vector_store_idx %arg9[%add3A_768, %add3A_600], %gather3A_765 : memref<64x512xf32, #tpu.memory_space<vmem>>[vector<16xi32>, vector<16xi32>], vector<16xf32>,
        %add3A_769 = arith.constant 32 : i32
        %add3A_770 = vector.broadcast %add3A_769 : i32 to vector<16xi32>
        %add3A_771 = arith.addi %iota3A, %add3A_770 : vector<16xi32>
        %gather3A_772 = arith.constant 5 : i32
        %gather3A_773 = arith.constant 0 : i32
        %gather3A_774 = arith.constant 0 : i32
        %gather3A_775 = tpu.memref_slice %arg8[%gather3A_772, %gather3A_773, %gather3A_774] : memref<8x64x128xf32, #tpu.memory_space<vmem>> -> memref<1x64x128xf32, #tpu.memory_space<vmem>>
        %gather3A_776 = tpu.memref_squeeze %gather3A_775 : memref<1x64x128xf32, #tpu.memory_space<vmem>> -> memref<64x128xf32, #tpu.memory_space<vmem>>
        %gather3A_777 = tpu.vector_load_idx %gather3A_776[%add3A_771, %add3A_745] : memref<64x128xf32, #tpu.memory_space<vmem>>[vector<16xi32>, vector<16xi32>], vector<16xf32>,
        %add3A_778 = arith.constant 32 : i32
        %add3A_779 = vector.broadcast %add3A_778 : i32 to vector<16xi32>
        %add3A_780 = arith.addi %iota3A, %add3A_779 : vector<16xi32>
        tpu.vector_store_idx %arg9[%add3A_780, %add3A_600], %gather3A_777 : memref<64x512xf32, #tpu.memory_space<vmem>>[vector<16xi32>, vector<16xi32>], vector<16xf32>,
        %add3A_781 = arith.constant 48 : i32
        %add3A_782 = vector.broadcast %add3A_781 : i32 to vector<16xi32>
        %add3A_783 = arith.addi %iota3A, %add3A_782 : vector<16xi32>
        %gather3A_784 = arith.constant 5 : i32
        %gather3A_785 = arith.constant 0 : i32
        %gather3A_786 = arith.constant 0 : i32
        %gather3A_787 = tpu.memref_slice %arg8[%gather3A_784, %gather3A_785, %gather3A_786] : memref<8x64x128xf32, #tpu.memory_space<vmem>> -> memref<1x64x128xf32, #tpu.memory_space<vmem>>
        %gather3A_788 = tpu.memref_squeeze %gather3A_787 : memref<1x64x128xf32, #tpu.memory_space<vmem>> -> memref<64x128xf32, #tpu.memory_space<vmem>>
        %gather3A_789 = tpu.vector_load_idx %gather3A_788[%add3A_783, %add3A_745] : memref<64x128xf32, #tpu.memory_space<vmem>>[vector<16xi32>, vector<16xi32>], vector<16xf32>,
        %add3A_790 = arith.constant 48 : i32
        %add3A_791 = vector.broadcast %add3A_790 : i32 to vector<16xi32>
        %add3A_792 = arith.addi %iota3A, %add3A_791 : vector<16xi32>
        tpu.vector_store_idx %arg9[%add3A_792, %add3A_600], %gather3A_789 : memref<64x512xf32, #tpu.memory_space<vmem>>[vector<16xi32>, vector<16xi32>], vector<16xf32>,
      } else {
      }
      %slice3A_611 = vector.extract_strided_slice %get3A_306 {offsets = [13], sizes = [1], strides = [1]} : vector<16xi32> to vector<1xi32>
      %squeeze3A_612 = vector.extract %slice3A_611[0] : i32 from vector<1xi32>
      %shift_right_logical3A_613 = arith.constant 7 : i32
      %shift_right_logical3A_614 = arith.shrui %squeeze3A_612, %shift_right_logical3A_613 : i32
      %min3A_615 = arith.constant 7811 : i32
      %min3A_616 = arith.minsi %shift_right_logical3A_614, %min3A_615 : i32
      %mul3A_617 = arith.constant 128 : i32
      %mul3A_618 = arith.muli %min3A_616, %mul3A_617 : i32
      %multiple_of3A_619 = tpu.assume_multiple %mul3A_618, 128 : i32
      %dma_start3A_620 = arith.constant 5 : i32
      %dma_start3A_621 = arith.constant 0 : i32
      %dma_start3A_622 = arith.constant 0 : i32
      %dma_start3A_623 = tpu.memref_slice %arg8[%dma_start3A_620, %dma_start3A_621, %dma_start3A_622] : memref<8x64x128xf32, #tpu.memory_space<vmem>> -> memref<1x64x128xf32, #tpu.memory_space<vmem>>
      %dma_start3A_624 = tpu.memref_squeeze %dma_start3A_623 : memref<1x64x128xf32, #tpu.memory_space<vmem>> -> memref<64x128xf32, #tpu.memory_space<vmem>>
      %dma_start3A_625 = arith.constant 0 : i32
      %dma_start3A_626 = tpu.memref_slice %arg2[%dma_start3A_625, %multiple_of3A_619] : memref<64x1000000xf32, #tpu.memory_space<hbm>> -> memref<64x128xf32, #tpu.memory_space<hbm>>
      %dma_start3A_627 = arith.constant 0 : i32
      %dma_start3A_628 = arith.constant 0 : i32
      %dma_start3A_629 = tpu.memref_slice %arg8[%dma_start3A_620, %dma_start3A_627, %dma_start3A_628] : memref<8x64x128xf32, #tpu.memory_space<vmem>> -> memref<1x64x128xf32, #tpu.memory_space<vmem>>
      %dma_start3A_630 = tpu.memref_squeeze %dma_start3A_629 : memref<1x64x128xf32, #tpu.memory_space<vmem>> -> memref<64x128xf32, #tpu.memory_space<vmem>>
      %dma_start3A_631 = arith.constant 0 : i32
      %dma_start3A_632 = tpu.memref_slice %arg2[%dma_start3A_631, %multiple_of3A_619] : memref<64x1000000xf32, #tpu.memory_space<hbm>> -> memref<64x128xf32, #tpu.memory_space<hbm>>
      tpu.enqueue_dma source(%dma_start3A_632 : memref<64x128xf32, #tpu.memory_space<hbm>>) target(%dma_start3A_630 : memref<64x128xf32, #tpu.memory_space<vmem>>) target_semaphore(%arg15 : memref<!tpu.dma_semaphore, #tpu.memory_space<semaphore_mem>>)
      %dma_wait3A_633 = arith.constant 6 : i32
      %dma_wait3A_634 = arith.constant 0 : i32
      %dma_wait3A_635 = arith.constant 0 : i32
      %dma_wait3A_636 = tpu.memref_slice %arg8[%dma_wait3A_633, %dma_wait3A_634, %dma_wait3A_635] : memref<8x64x128xf32, #tpu.memory_space<vmem>> -> memref<1x64x128xf32, #tpu.memory_space<vmem>>
      %dma_wait3A_637 = tpu.memref_squeeze %dma_wait3A_636 : memref<1x64x128xf32, #tpu.memory_space<vmem>> -> memref<64x128xf32, #tpu.memory_space<vmem>>
      %dma_wait3A_638 = arith.constant 0 : i32
      %dma_wait3A_639 = arith.constant 0 : i32
      %dma_wait3A_640 = tpu.memref_slice %arg2[%dma_wait3A_638, %dma_wait3A_639] : memref<64x1000000xf32, #tpu.memory_space<hbm>> -> memref<64x128xf32, #tpu.memory_space<hbm>>
      %dma_wait3A_641 = arith.constant 0 : i32
      %dma_wait3A_642 = arith.constant 0 : i32
      %dma_wait3A_643 = tpu.memref_slice %arg8[%dma_wait3A_633, %dma_wait3A_641, %dma_wait3A_642] : memref<8x64x128xf32, #tpu.memory_space<vmem>> -> memref<1x64x128xf32, #tpu.memory_space<vmem>>
      %dma_wait3A_644 = tpu.memref_squeeze %dma_wait3A_643 : memref<1x64x128xf32, #tpu.memory_space<vmem>> -> memref<64x128xf32, #tpu.memory_space<vmem>>
      %dma_wait3A_645 = arith.constant 0 : i32
      %dma_wait3A_646 = arith.constant 0 : i32
      %dma_wait3A_647 = tpu.memref_slice %arg2[%dma_wait3A_645, %dma_wait3A_646] : memref<64x1000000xf32, #tpu.memory_space<hbm>> -> memref<64x128xf32, #tpu.memory_space<hbm>>
      tpu.wait_dma2 semaphore(%arg16 : memref<!tpu.dma_semaphore, #tpu.memory_space<semaphore_mem>>) src(%dma_wait3A_647 : memref<64x128xf32, #tpu.memory_space<hbm>>) dst(%dma_wait3A_644 : memref<64x128xf32, #tpu.memory_space<vmem>>)
      %slice3A_648 = vector.extract_strided_slice %get3A_306 {offsets = [6], sizes = [1], strides = [1]} : vector<16xi32> to vector<1xi32>
      %squeeze3A_649 = vector.extract %slice3A_648[0] : i32 from vector<1xi32>
      %mul3A_650 = arith.constant 8 : i32
      %mul3A_651 = arith.muli %scan3A_302, %mul3A_650 : i32
      %add3A_652 = arith.constant 6 : i32
      %add3A_653 = arith.addi %mul3A_651, %add3A_652 : i32
      %add3A_654 = vector.broadcast %add3A_653 : i32 to vector<16xi32>
      %add3A_655 = arith.addi %broadcast_in_dim3A_3, %add3A_654 : vector<16xi32>
      %ge3A_656 = arith.constant 999936 : i32
      %ge3A_657 = arith.cmpi sge, %squeeze3A_649, %ge3A_656 : i32
      %convert_element_type3A_658 = arith.extui %ge3A_657 : i1 to i32
      %cond3A_659 = arith.constant 0 : i32
      %cond3A_660 = arith.cmpi ne, %convert_element_type3A_658, %cond3A_659 : i32
      scf.if %cond3A_660 {
        %sub3A = arith.constant 999936 : i32
        %sub3A_743 = arith.subi %squeeze3A_649, %sub3A : i32
        %add3A_744 = vector.broadcast %sub3A_743 : i32 to vector<16xi32>
        %add3A_745 = arith.addi %broadcast_in_dim3A_3, %add3A_744 : vector<16xi32>
        %add3A_746 = arith.constant 0 : i32
        %add3A_747 = vector.broadcast %add3A_746 : i32 to vector<16xi32>
        %add3A_748 = arith.addi %iota3A, %add3A_747 : vector<16xi32>
        %gather3A = tpu.vector_load_idx %arg7[%add3A_748, %add3A_745] : memref<64x64xf32, #tpu.memory_space<vmem>>[vector<16xi32>, vector<16xi32>], vector<16xf32>,
        %add3A_749 = arith.constant 0 : i32
        %add3A_750 = vector.broadcast %add3A_749 : i32 to vector<16xi32>
        %add3A_751 = arith.addi %iota3A, %add3A_750 : vector<16xi32>
        tpu.vector_store_idx %arg9[%add3A_751, %add3A_655], %gather3A : memref<64x512xf32, #tpu.memory_space<vmem>>[vector<16xi32>, vector<16xi32>], vector<16xf32>,
        %add3A_752 = arith.constant 16 : i32
        %add3A_753 = vector.broadcast %add3A_752 : i32 to vector<16xi32>
        %add3A_754 = arith.addi %iota3A, %add3A_753 : vector<16xi32>
        %gather3A_755 = tpu.vector_load_idx %arg7[%add3A_754, %add3A_745] : memref<64x64xf32, #tpu.memory_space<vmem>>[vector<16xi32>, vector<16xi32>], vector<16xf32>,
        %add3A_756 = arith.constant 16 : i32
        %add3A_757 = vector.broadcast %add3A_756 : i32 to vector<16xi32>
        %add3A_758 = arith.addi %iota3A, %add3A_757 : vector<16xi32>
        tpu.vector_store_idx %arg9[%add3A_758, %add3A_655], %gather3A_755 : memref<64x512xf32, #tpu.memory_space<vmem>>[vector<16xi32>, vector<16xi32>], vector<16xf32>,
        %add3A_759 = arith.constant 32 : i32
        %add3A_760 = vector.broadcast %add3A_759 : i32 to vector<16xi32>
        %add3A_761 = arith.addi %iota3A, %add3A_760 : vector<16xi32>
        %gather3A_762 = tpu.vector_load_idx %arg7[%add3A_761, %add3A_745] : memref<64x64xf32, #tpu.memory_space<vmem>>[vector<16xi32>, vector<16xi32>], vector<16xf32>,
        %add3A_763 = arith.constant 32 : i32
        %add3A_764 = vector.broadcast %add3A_763 : i32 to vector<16xi32>
        %add3A_765 = arith.addi %iota3A, %add3A_764 : vector<16xi32>
        tpu.vector_store_idx %arg9[%add3A_765, %add3A_655], %gather3A_762 : memref<64x512xf32, #tpu.memory_space<vmem>>[vector<16xi32>, vector<16xi32>], vector<16xf32>,
        %add3A_766 = arith.constant 48 : i32
        %add3A_767 = vector.broadcast %add3A_766 : i32 to vector<16xi32>
        %add3A_768 = arith.addi %iota3A, %add3A_767 : vector<16xi32>
        %gather3A_769 = tpu.vector_load_idx %arg7[%add3A_768, %add3A_745] : memref<64x64xf32, #tpu.memory_space<vmem>>[vector<16xi32>, vector<16xi32>], vector<16xf32>,
        %add3A_770 = arith.constant 48 : i32
        %add3A_771 = vector.broadcast %add3A_770 : i32 to vector<16xi32>
        %add3A_772 = arith.addi %iota3A, %add3A_771 : vector<16xi32>
        tpu.vector_store_idx %arg9[%add3A_772, %add3A_655], %gather3A_769 : memref<64x512xf32, #tpu.memory_space<vmem>>[vector<16xi32>, vector<16xi32>], vector<16xf32>,
      } else {
      }
      %not3A_661 = arith.constant true
      %not3A_662 = arith.xori %ge3A_657, %not3A_661 : i1
      %convert_element_type3A_663 = arith.extui %not3A_662 : i1 to i32
      %cond3A_664 = arith.constant 0 : i32
      %cond3A_665 = arith.cmpi ne, %convert_element_type3A_663, %cond3A_664 : i32
      scf.if %cond3A_665 {
        %and3A = arith.constant 127 : i32
        %and3A_743 = arith.andi %squeeze3A_649, %and3A : i32
        %add3A_744 = vector.broadcast %and3A_743 : i32 to vector<16xi32>
        %add3A_745 = arith.addi %broadcast_in_dim3A_3, %add3A_744 : vector<16xi32>
        %add3A_746 = arith.constant 0 : i32
        %add3A_747 = vector.broadcast %add3A_746 : i32 to vector<16xi32>
        %add3A_748 = arith.addi %iota3A, %add3A_747 : vector<16xi32>
        %gather3A = arith.constant 6 : i32
        %gather3A_749 = arith.constant 0 : i32
        %gather3A_750 = arith.constant 0 : i32
        %gather3A_751 = tpu.memref_slice %arg8[%gather3A, %gather3A_749, %gather3A_750] : memref<8x64x128xf32, #tpu.memory_space<vmem>> -> memref<1x64x128xf32, #tpu.memory_space<vmem>>
        %gather3A_752 = tpu.memref_squeeze %gather3A_751 : memref<1x64x128xf32, #tpu.memory_space<vmem>> -> memref<64x128xf32, #tpu.memory_space<vmem>>
        %gather3A_753 = tpu.vector_load_idx %gather3A_752[%add3A_748, %add3A_745] : memref<64x128xf32, #tpu.memory_space<vmem>>[vector<16xi32>, vector<16xi32>], vector<16xf32>,
        %add3A_754 = arith.constant 0 : i32
        %add3A_755 = vector.broadcast %add3A_754 : i32 to vector<16xi32>
        %add3A_756 = arith.addi %iota3A, %add3A_755 : vector<16xi32>
        tpu.vector_store_idx %arg9[%add3A_756, %add3A_655], %gather3A_753 : memref<64x512xf32, #tpu.memory_space<vmem>>[vector<16xi32>, vector<16xi32>], vector<16xf32>,
        %add3A_757 = arith.constant 16 : i32
        %add3A_758 = vector.broadcast %add3A_757 : i32 to vector<16xi32>
        %add3A_759 = arith.addi %iota3A, %add3A_758 : vector<16xi32>
        %gather3A_760 = arith.constant 6 : i32
        %gather3A_761 = arith.constant 0 : i32
        %gather3A_762 = arith.constant 0 : i32
        %gather3A_763 = tpu.memref_slice %arg8[%gather3A_760, %gather3A_761, %gather3A_762] : memref<8x64x128xf32, #tpu.memory_space<vmem>> -> memref<1x64x128xf32, #tpu.memory_space<vmem>>
        %gather3A_764 = tpu.memref_squeeze %gather3A_763 : memref<1x64x128xf32, #tpu.memory_space<vmem>> -> memref<64x128xf32, #tpu.memory_space<vmem>>
        %gather3A_765 = tpu.vector_load_idx %gather3A_764[%add3A_759, %add3A_745] : memref<64x128xf32, #tpu.memory_space<vmem>>[vector<16xi32>, vector<16xi32>], vector<16xf32>,
        %add3A_766 = arith.constant 16 : i32
        %add3A_767 = vector.broadcast %add3A_766 : i32 to vector<16xi32>
        %add3A_768 = arith.addi %iota3A, %add3A_767 : vector<16xi32>
        tpu.vector_store_idx %arg9[%add3A_768, %add3A_655], %gather3A_765 : memref<64x512xf32, #tpu.memory_space<vmem>>[vector<16xi32>, vector<16xi32>], vector<16xf32>,
        %add3A_769 = arith.constant 32 : i32
        %add3A_770 = vector.broadcast %add3A_769 : i32 to vector<16xi32>
        %add3A_771 = arith.addi %iota3A, %add3A_770 : vector<16xi32>
        %gather3A_772 = arith.constant 6 : i32
        %gather3A_773 = arith.constant 0 : i32
        %gather3A_774 = arith.constant 0 : i32
        %gather3A_775 = tpu.memref_slice %arg8[%gather3A_772, %gather3A_773, %gather3A_774] : memref<8x64x128xf32, #tpu.memory_space<vmem>> -> memref<1x64x128xf32, #tpu.memory_space<vmem>>
        %gather3A_776 = tpu.memref_squeeze %gather3A_775 : memref<1x64x128xf32, #tpu.memory_space<vmem>> -> memref<64x128xf32, #tpu.memory_space<vmem>>
        %gather3A_777 = tpu.vector_load_idx %gather3A_776[%add3A_771, %add3A_745] : memref<64x128xf32, #tpu.memory_space<vmem>>[vector<16xi32>, vector<16xi32>], vector<16xf32>,
        %add3A_778 = arith.constant 32 : i32
        %add3A_779 = vector.broadcast %add3A_778 : i32 to vector<16xi32>
        %add3A_780 = arith.addi %iota3A, %add3A_779 : vector<16xi32>
        tpu.vector_store_idx %arg9[%add3A_780, %add3A_655], %gather3A_777 : memref<64x512xf32, #tpu.memory_space<vmem>>[vector<16xi32>, vector<16xi32>], vector<16xf32>,
        %add3A_781 = arith.constant 48 : i32
        %add3A_782 = vector.broadcast %add3A_781 : i32 to vector<16xi32>
        %add3A_783 = arith.addi %iota3A, %add3A_782 : vector<16xi32>
        %gather3A_784 = arith.constant 6 : i32
        %gather3A_785 = arith.constant 0 : i32
        %gather3A_786 = arith.constant 0 : i32
        %gather3A_787 = tpu.memref_slice %arg8[%gather3A_784, %gather3A_785, %gather3A_786] : memref<8x64x128xf32, #tpu.memory_space<vmem>> -> memref<1x64x128xf32, #tpu.memory_space<vmem>>
        %gather3A_788 = tpu.memref_squeeze %gather3A_787 : memref<1x64x128xf32, #tpu.memory_space<vmem>> -> memref<64x128xf32, #tpu.memory_space<vmem>>
        %gather3A_789 = tpu.vector_load_idx %gather3A_788[%add3A_783, %add3A_745] : memref<64x128xf32, #tpu.memory_space<vmem>>[vector<16xi32>, vector<16xi32>], vector<16xf32>,
        %add3A_790 = arith.constant 48 : i32
        %add3A_791 = vector.broadcast %add3A_790 : i32 to vector<16xi32>
        %add3A_792 = arith.addi %iota3A, %add3A_791 : vector<16xi32>
        tpu.vector_store_idx %arg9[%add3A_792, %add3A_655], %gather3A_789 : memref<64x512xf32, #tpu.memory_space<vmem>>[vector<16xi32>, vector<16xi32>], vector<16xf32>,
      } else {
      }
      %slice3A_666 = vector.extract_strided_slice %get3A_306 {offsets = [14], sizes = [1], strides = [1]} : vector<16xi32> to vector<1xi32>
      %squeeze3A_667 = vector.extract %slice3A_666[0] : i32 from vector<1xi32>
      %shift_right_logical3A_668 = arith.constant 7 : i32
      %shift_right_logical3A_669 = arith.shrui %squeeze3A_667, %shift_right_logical3A_668 : i32
      %min3A_670 = arith.constant 7811 : i32
      %min3A_671 = arith.minsi %shift_right_logical3A_669, %min3A_670 : i32
      %mul3A_672 = arith.constant 128 : i32
      %mul3A_673 = arith.muli %min3A_671, %mul3A_672 : i32
      %multiple_of3A_674 = tpu.assume_multiple %mul3A_673, 128 : i32
      %dma_start3A_675 = arith.constant 6 : i32
      %dma_start3A_676 = arith.constant 0 : i32
      %dma_start3A_677 = arith.constant 0 : i32
      %dma_start3A_678 = tpu.memref_slice %arg8[%dma_start3A_675, %dma_start3A_676, %dma_start3A_677] : memref<8x64x128xf32, #tpu.memory_space<vmem>> -> memref<1x64x128xf32, #tpu.memory_space<vmem>>
      %dma_start3A_679 = tpu.memref_squeeze %dma_start3A_678 : memref<1x64x128xf32, #tpu.memory_space<vmem>> -> memref<64x128xf32, #tpu.memory_space<vmem>>
      %dma_start3A_680 = arith.constant 0 : i32
      %dma_start3A_681 = tpu.memref_slice %arg2[%dma_start3A_680, %multiple_of3A_674] : memref<64x1000000xf32, #tpu.memory_space<hbm>> -> memref<64x128xf32, #tpu.memory_space<hbm>>
      %dma_start3A_682 = arith.constant 0 : i32
      %dma_start3A_683 = arith.constant 0 : i32
      %dma_start3A_684 = tpu.memref_slice %arg8[%dma_start3A_675, %dma_start3A_682, %dma_start3A_683] : memref<8x64x128xf32, #tpu.memory_space<vmem>> -> memref<1x64x128xf32, #tpu.memory_space<vmem>>
      %dma_start3A_685 = tpu.memref_squeeze %dma_start3A_684 : memref<1x64x128xf32, #tpu.memory_space<vmem>> -> memref<64x128xf32, #tpu.memory_space<vmem>>
      %dma_start3A_686 = arith.constant 0 : i32
      %dma_start3A_687 = tpu.memref_slice %arg2[%dma_start3A_686, %multiple_of3A_674] : memref<64x1000000xf32, #tpu.memory_space<hbm>> -> memref<64x128xf32, #tpu.memory_space<hbm>>
      tpu.enqueue_dma source(%dma_start3A_687 : memref<64x128xf32, #tpu.memory_space<hbm>>) target(%dma_start3A_685 : memref<64x128xf32, #tpu.memory_space<vmem>>) target_semaphore(%arg16 : memref<!tpu.dma_semaphore, #tpu.memory_space<semaphore_mem>>)
      %dma_wait3A_688 = arith.constant 7 : i32
      %dma_wait3A_689 = arith.constant 0 : i32
      %dma_wait3A_690 = arith.constant 0 : i32
      %dma_wait3A_691 = tpu.memref_slice %arg8[%dma_wait3A_688, %dma_wait3A_689, %dma_wait3A_690] : memref<8x64x128xf32, #tpu.memory_space<vmem>> -> memref<1x64x128xf32, #tpu.memory_space<vmem>>
      %dma_wait3A_692 = tpu.memref_squeeze %dma_wait3A_691 : memref<1x64x128xf32, #tpu.memory_space<vmem>> -> memref<64x128xf32, #tpu.memory_space<vmem>>
      %dma_wait3A_693 = arith.constant 0 : i32
      %dma_wait3A_694 = arith.constant 0 : i32
      %dma_wait3A_695 = tpu.memref_slice %arg2[%dma_wait3A_693, %dma_wait3A_694] : memref<64x1000000xf32, #tpu.memory_space<hbm>> -> memref<64x128xf32, #tpu.memory_space<hbm>>
      %dma_wait3A_696 = arith.constant 0 : i32
      %dma_wait3A_697 = arith.constant 0 : i32
      %dma_wait3A_698 = tpu.memref_slice %arg8[%dma_wait3A_688, %dma_wait3A_696, %dma_wait3A_697] : memref<8x64x128xf32, #tpu.memory_space<vmem>> -> memref<1x64x128xf32, #tpu.memory_space<vmem>>
      %dma_wait3A_699 = tpu.memref_squeeze %dma_wait3A_698 : memref<1x64x128xf32, #tpu.memory_space<vmem>> -> memref<64x128xf32, #tpu.memory_space<vmem>>
      %dma_wait3A_700 = arith.constant 0 : i32
      %dma_wait3A_701 = arith.constant 0 : i32
      %dma_wait3A_702 = tpu.memref_slice %arg2[%dma_wait3A_700, %dma_wait3A_701] : memref<64x1000000xf32, #tpu.memory_space<hbm>> -> memref<64x128xf32, #tpu.memory_space<hbm>>
      tpu.wait_dma2 semaphore(%arg17 : memref<!tpu.dma_semaphore, #tpu.memory_space<semaphore_mem>>) src(%dma_wait3A_702 : memref<64x128xf32, #tpu.memory_space<hbm>>) dst(%dma_wait3A_699 : memref<64x128xf32, #tpu.memory_space<vmem>>)
      %slice3A_703 = vector.extract_strided_slice %get3A_306 {offsets = [7], sizes = [1], strides = [1]} : vector<16xi32> to vector<1xi32>
      %squeeze3A_704 = vector.extract %slice3A_703[0] : i32 from vector<1xi32>
      %mul3A_705 = arith.constant 8 : i32
      %mul3A_706 = arith.muli %scan3A_302, %mul3A_705 : i32
      %add3A_707 = arith.constant 7 : i32
      %add3A_708 = arith.addi %mul3A_706, %add3A_707 : i32
      %add3A_709 = vector.broadcast %add3A_708 : i32 to vector<16xi32>
      %add3A_710 = arith.addi %broadcast_in_dim3A_3, %add3A_709 : vector<16xi32>
      %ge3A_711 = arith.constant 999936 : i32
      %ge3A_712 = arith.cmpi sge, %squeeze3A_704, %ge3A_711 : i32
      %convert_element_type3A_713 = arith.extui %ge3A_712 : i1 to i32
      %cond3A_714 = arith.constant 0 : i32
      %cond3A_715 = arith.cmpi ne, %convert_element_type3A_713, %cond3A_714 : i32
      scf.if %cond3A_715 {
        %sub3A = arith.constant 999936 : i32
        %sub3A_743 = arith.subi %squeeze3A_704, %sub3A : i32
        %add3A_744 = vector.broadcast %sub3A_743 : i32 to vector<16xi32>
        %add3A_745 = arith.addi %broadcast_in_dim3A_3, %add3A_744 : vector<16xi32>
        %add3A_746 = arith.constant 0 : i32
        %add3A_747 = vector.broadcast %add3A_746 : i32 to vector<16xi32>
        %add3A_748 = arith.addi %iota3A, %add3A_747 : vector<16xi32>
        %gather3A = tpu.vector_load_idx %arg7[%add3A_748, %add3A_745] : memref<64x64xf32, #tpu.memory_space<vmem>>[vector<16xi32>, vector<16xi32>], vector<16xf32>,
        %add3A_749 = arith.constant 0 : i32
        %add3A_750 = vector.broadcast %add3A_749 : i32 to vector<16xi32>
        %add3A_751 = arith.addi %iota3A, %add3A_750 : vector<16xi32>
        tpu.vector_store_idx %arg9[%add3A_751, %add3A_710], %gather3A : memref<64x512xf32, #tpu.memory_space<vmem>>[vector<16xi32>, vector<16xi32>], vector<16xf32>,
        %add3A_752 = arith.constant 16 : i32
        %add3A_753 = vector.broadcast %add3A_752 : i32 to vector<16xi32>
        %add3A_754 = arith.addi %iota3A, %add3A_753 : vector<16xi32>
        %gather3A_755 = tpu.vector_load_idx %arg7[%add3A_754, %add3A_745] : memref<64x64xf32, #tpu.memory_space<vmem>>[vector<16xi32>, vector<16xi32>], vector<16xf32>,
        %add3A_756 = arith.constant 16 : i32
        %add3A_757 = vector.broadcast %add3A_756 : i32 to vector<16xi32>
        %add3A_758 = arith.addi %iota3A, %add3A_757 : vector<16xi32>
        tpu.vector_store_idx %arg9[%add3A_758, %add3A_710], %gather3A_755 : memref<64x512xf32, #tpu.memory_space<vmem>>[vector<16xi32>, vector<16xi32>], vector<16xf32>,
        %add3A_759 = arith.constant 32 : i32
        %add3A_760 = vector.broadcast %add3A_759 : i32 to vector<16xi32>
        %add3A_761 = arith.addi %iota3A, %add3A_760 : vector<16xi32>
        %gather3A_762 = tpu.vector_load_idx %arg7[%add3A_761, %add3A_745] : memref<64x64xf32, #tpu.memory_space<vmem>>[vector<16xi32>, vector<16xi32>], vector<16xf32>,
        %add3A_763 = arith.constant 32 : i32
        %add3A_764 = vector.broadcast %add3A_763 : i32 to vector<16xi32>
        %add3A_765 = arith.addi %iota3A, %add3A_764 : vector<16xi32>
        tpu.vector_store_idx %arg9[%add3A_765, %add3A_710], %gather3A_762 : memref<64x512xf32, #tpu.memory_space<vmem>>[vector<16xi32>, vector<16xi32>], vector<16xf32>,
        %add3A_766 = arith.constant 48 : i32
        %add3A_767 = vector.broadcast %add3A_766 : i32 to vector<16xi32>
        %add3A_768 = arith.addi %iota3A, %add3A_767 : vector<16xi32>
        %gather3A_769 = tpu.vector_load_idx %arg7[%add3A_768, %add3A_745] : memref<64x64xf32, #tpu.memory_space<vmem>>[vector<16xi32>, vector<16xi32>], vector<16xf32>,
        %add3A_770 = arith.constant 48 : i32
        %add3A_771 = vector.broadcast %add3A_770 : i32 to vector<16xi32>
        %add3A_772 = arith.addi %iota3A, %add3A_771 : vector<16xi32>
        tpu.vector_store_idx %arg9[%add3A_772, %add3A_710], %gather3A_769 : memref<64x512xf32, #tpu.memory_space<vmem>>[vector<16xi32>, vector<16xi32>], vector<16xf32>,
      } else {
      }
      %not3A_716 = arith.constant true
      %not3A_717 = arith.xori %ge3A_712, %not3A_716 : i1
      %convert_element_type3A_718 = arith.extui %not3A_717 : i1 to i32
      %cond3A_719 = arith.constant 0 : i32
      %cond3A_720 = arith.cmpi ne, %convert_element_type3A_718, %cond3A_719 : i32
      scf.if %cond3A_720 {
        %and3A = arith.constant 127 : i32
        %and3A_743 = arith.andi %squeeze3A_704, %and3A : i32
        %add3A_744 = vector.broadcast %and3A_743 : i32 to vector<16xi32>
        %add3A_745 = arith.addi %broadcast_in_dim3A_3, %add3A_744 : vector<16xi32>
        %add3A_746 = arith.constant 0 : i32
        %add3A_747 = vector.broadcast %add3A_746 : i32 to vector<16xi32>
        %add3A_748 = arith.addi %iota3A, %add3A_747 : vector<16xi32>
        %gather3A = arith.constant 7 : i32
        %gather3A_749 = arith.constant 0 : i32
        %gather3A_750 = arith.constant 0 : i32
        %gather3A_751 = tpu.memref_slice %arg8[%gather3A, %gather3A_749, %gather3A_750] : memref<8x64x128xf32, #tpu.memory_space<vmem>> -> memref<1x64x128xf32, #tpu.memory_space<vmem>>
        %gather3A_752 = tpu.memref_squeeze %gather3A_751 : memref<1x64x128xf32, #tpu.memory_space<vmem>> -> memref<64x128xf32, #tpu.memory_space<vmem>>
        %gather3A_753 = tpu.vector_load_idx %gather3A_752[%add3A_748, %add3A_745] : memref<64x128xf32, #tpu.memory_space<vmem>>[vector<16xi32>, vector<16xi32>], vector<16xf32>,
        %add3A_754 = arith.constant 0 : i32
        %add3A_755 = vector.broadcast %add3A_754 : i32 to vector<16xi32>
        %add3A_756 = arith.addi %iota3A, %add3A_755 : vector<16xi32>
        tpu.vector_store_idx %arg9[%add3A_756, %add3A_710], %gather3A_753 : memref<64x512xf32, #tpu.memory_space<vmem>>[vector<16xi32>, vector<16xi32>], vector<16xf32>,
        %add3A_757 = arith.constant 16 : i32
        %add3A_758 = vector.broadcast %add3A_757 : i32 to vector<16xi32>
        %add3A_759 = arith.addi %iota3A, %add3A_758 : vector<16xi32>
        %gather3A_760 = arith.constant 7 : i32
        %gather3A_761 = arith.constant 0 : i32
        %gather3A_762 = arith.constant 0 : i32
        %gather3A_763 = tpu.memref_slice %arg8[%gather3A_760, %gather3A_761, %gather3A_762] : memref<8x64x128xf32, #tpu.memory_space<vmem>> -> memref<1x64x128xf32, #tpu.memory_space<vmem>>
        %gather3A_764 = tpu.memref_squeeze %gather3A_763 : memref<1x64x128xf32, #tpu.memory_space<vmem>> -> memref<64x128xf32, #tpu.memory_space<vmem>>
        %gather3A_765 = tpu.vector_load_idx %gather3A_764[%add3A_759, %add3A_745] : memref<64x128xf32, #tpu.memory_space<vmem>>[vector<16xi32>, vector<16xi32>], vector<16xf32>,
        %add3A_766 = arith.constant 16 : i32
        %add3A_767 = vector.broadcast %add3A_766 : i32 to vector<16xi32>
        %add3A_768 = arith.addi %iota3A, %add3A_767 : vector<16xi32>
        tpu.vector_store_idx %arg9[%add3A_768, %add3A_710], %gather3A_765 : memref<64x512xf32, #tpu.memory_space<vmem>>[vector<16xi32>, vector<16xi32>], vector<16xf32>,
        %add3A_769 = arith.constant 32 : i32
        %add3A_770 = vector.broadcast %add3A_769 : i32 to vector<16xi32>
        %add3A_771 = arith.addi %iota3A, %add3A_770 : vector<16xi32>
        %gather3A_772 = arith.constant 7 : i32
        %gather3A_773 = arith.constant 0 : i32
        %gather3A_774 = arith.constant 0 : i32
        %gather3A_775 = tpu.memref_slice %arg8[%gather3A_772, %gather3A_773, %gather3A_774] : memref<8x64x128xf32, #tpu.memory_space<vmem>> -> memref<1x64x128xf32, #tpu.memory_space<vmem>>
        %gather3A_776 = tpu.memref_squeeze %gather3A_775 : memref<1x64x128xf32, #tpu.memory_space<vmem>> -> memref<64x128xf32, #tpu.memory_space<vmem>>
        %gather3A_777 = tpu.vector_load_idx %gather3A_776[%add3A_771, %add3A_745] : memref<64x128xf32, #tpu.memory_space<vmem>>[vector<16xi32>, vector<16xi32>], vector<16xf32>,
        %add3A_778 = arith.constant 32 : i32
        %add3A_779 = vector.broadcast %add3A_778 : i32 to vector<16xi32>
        %add3A_780 = arith.addi %iota3A, %add3A_779 : vector<16xi32>
        tpu.vector_store_idx %arg9[%add3A_780, %add3A_710], %gather3A_777 : memref<64x512xf32, #tpu.memory_space<vmem>>[vector<16xi32>, vector<16xi32>], vector<16xf32>,
        %add3A_781 = arith.constant 48 : i32
        %add3A_782 = vector.broadcast %add3A_781 : i32 to vector<16xi32>
        %add3A_783 = arith.addi %iota3A, %add3A_782 : vector<16xi32>
        %gather3A_784 = arith.constant 7 : i32
        %gather3A_785 = arith.constant 0 : i32
        %gather3A_786 = arith.constant 0 : i32
        %gather3A_787 = tpu.memref_slice %arg8[%gather3A_784, %gather3A_785, %gather3A_786] : memref<8x64x128xf32, #tpu.memory_space<vmem>> -> memref<1x64x128xf32, #tpu.memory_space<vmem>>
        %gather3A_788 = tpu.memref_squeeze %gather3A_787 : memref<1x64x128xf32, #tpu.memory_space<vmem>> -> memref<64x128xf32, #tpu.memory_space<vmem>>
        %gather3A_789 = tpu.vector_load_idx %gather3A_788[%add3A_783, %add3A_745] : memref<64x128xf32, #tpu.memory_space<vmem>>[vector<16xi32>, vector<16xi32>], vector<16xf32>,
        %add3A_790 = arith.constant 48 : i32
        %add3A_791 = vector.broadcast %add3A_790 : i32 to vector<16xi32>
        %add3A_792 = arith.addi %iota3A, %add3A_791 : vector<16xi32>
        tpu.vector_store_idx %arg9[%add3A_792, %add3A_710], %gather3A_789 : memref<64x512xf32, #tpu.memory_space<vmem>>[vector<16xi32>, vector<16xi32>], vector<16xf32>,
      } else {
      }
      %slice3A_721 = vector.extract_strided_slice %get3A_306 {offsets = [15], sizes = [1], strides = [1]} : vector<16xi32> to vector<1xi32>
      %squeeze3A_722 = vector.extract %slice3A_721[0] : i32 from vector<1xi32>
      %shift_right_logical3A_723 = arith.constant 7 : i32
      %shift_right_logical3A_724 = arith.shrui %squeeze3A_722, %shift_right_logical3A_723 : i32
      %min3A_725 = arith.constant 7811 : i32
      %min3A_726 = arith.minsi %shift_right_logical3A_724, %min3A_725 : i32
      %mul3A_727 = arith.constant 128 : i32
      %mul3A_728 = arith.muli %min3A_726, %mul3A_727 : i32
      %multiple_of3A_729 = tpu.assume_multiple %mul3A_728, 128 : i32
      %dma_start3A_730 = arith.constant 7 : i32
      %dma_start3A_731 = arith.constant 0 : i32
      %dma_start3A_732 = arith.constant 0 : i32
      %dma_start3A_733 = tpu.memref_slice %arg8[%dma_start3A_730, %dma_start3A_731, %dma_start3A_732] : memref<8x64x128xf32, #tpu.memory_space<vmem>> -> memref<1x64x128xf32, #tpu.memory_space<vmem>>
      %dma_start3A_734 = tpu.memref_squeeze %dma_start3A_733 : memref<1x64x128xf32, #tpu.memory_space<vmem>> -> memref<64x128xf32, #tpu.memory_space<vmem>>
      %dma_start3A_735 = arith.constant 0 : i32
      %dma_start3A_736 = tpu.memref_slice %arg2[%dma_start3A_735, %multiple_of3A_729] : memref<64x1000000xf32, #tpu.memory_space<hbm>> -> memref<64x128xf32, #tpu.memory_space<hbm>>
      %dma_start3A_737 = arith.constant 0 : i32
      %dma_start3A_738 = arith.constant 0 : i32
      %dma_start3A_739 = tpu.memref_slice %arg8[%dma_start3A_730, %dma_start3A_737, %dma_start3A_738] : memref<8x64x128xf32, #tpu.memory_space<vmem>> -> memref<1x64x128xf32, #tpu.memory_space<vmem>>
      %dma_start3A_740 = tpu.memref_squeeze %dma_start3A_739 : memref<1x64x128xf32, #tpu.memory_space<vmem>> -> memref<64x128xf32, #tpu.memory_space<vmem>>
      %dma_start3A_741 = arith.constant 0 : i32
      %dma_start3A_742 = tpu.memref_slice %arg2[%dma_start3A_741, %multiple_of3A_729] : memref<64x1000000xf32, #tpu.memory_space<hbm>> -> memref<64x128xf32, #tpu.memory_space<hbm>>
      tpu.enqueue_dma source(%dma_start3A_742 : memref<64x128xf32, #tpu.memory_space<hbm>>) target(%dma_start3A_740 : memref<64x128xf32, #tpu.memory_space<vmem>>) target_semaphore(%arg17 : memref<!tpu.dma_semaphore, #tpu.memory_space<semaphore_mem>>)
    }
    %scan3A_182 = arith.constant 64 : i32
    %dma_wait3A = arith.constant 0 : i32
    %dma_wait3A_183 = arith.constant 0 : i32
    %dma_wait3A_184 = arith.constant 0 : i32
    %dma_wait3A_185 = tpu.memref_slice %arg8[%dma_wait3A, %dma_wait3A_183, %dma_wait3A_184] : memref<8x64x128xf32, #tpu.memory_space<vmem>> -> memref<1x64x128xf32, #tpu.memory_space<vmem>>
    %dma_wait3A_186 = tpu.memref_squeeze %dma_wait3A_185 : memref<1x64x128xf32, #tpu.memory_space<vmem>> -> memref<64x128xf32, #tpu.memory_space<vmem>>
    %dma_wait3A_187 = arith.constant 0 : i32
    %dma_wait3A_188 = arith.constant 0 : i32
    %dma_wait3A_189 = tpu.memref_slice %arg2[%dma_wait3A_187, %dma_wait3A_188] : memref<64x1000000xf32, #tpu.memory_space<hbm>> -> memref<64x128xf32, #tpu.memory_space<hbm>>
    %dma_wait3A_190 = arith.constant 0 : i32
    %dma_wait3A_191 = arith.constant 0 : i32
    %dma_wait3A_192 = tpu.memref_slice %arg8[%dma_wait3A, %dma_wait3A_190, %dma_wait3A_191] : memref<8x64x128xf32, #tpu.memory_space<vmem>> -> memref<1x64x128xf32, #tpu.memory_space<vmem>>
    %dma_wait3A_193 = tpu.memref_squeeze %dma_wait3A_192 : memref<1x64x128xf32, #tpu.memory_space<vmem>> -> memref<64x128xf32, #tpu.memory_space<vmem>>
    %dma_wait3A_194 = arith.constant 0 : i32
    %dma_wait3A_195 = arith.constant 0 : i32
    %dma_wait3A_196 = tpu.memref_slice %arg2[%dma_wait3A_194, %dma_wait3A_195] : memref<64x1000000xf32, #tpu.memory_space<hbm>> -> memref<64x128xf32, #tpu.memory_space<hbm>>
    tpu.wait_dma2 semaphore(%arg10 : memref<!tpu.dma_semaphore, #tpu.memory_space<semaphore_mem>>) src(%dma_wait3A_196 : memref<64x128xf32, #tpu.memory_space<hbm>>) dst(%dma_wait3A_193 : memref<64x128xf32, #tpu.memory_space<vmem>>)
    %dma_wait3A_197 = arith.constant 1 : i32
    %dma_wait3A_198 = arith.constant 0 : i32
    %dma_wait3A_199 = arith.constant 0 : i32
    %dma_wait3A_200 = tpu.memref_slice %arg8[%dma_wait3A_197, %dma_wait3A_198, %dma_wait3A_199] : memref<8x64x128xf32, #tpu.memory_space<vmem>> -> memref<1x64x128xf32, #tpu.memory_space<vmem>>
    %dma_wait3A_201 = tpu.memref_squeeze %dma_wait3A_200 : memref<1x64x128xf32, #tpu.memory_space<vmem>> -> memref<64x128xf32, #tpu.memory_space<vmem>>
    %dma_wait3A_202 = arith.constant 0 : i32
    %dma_wait3A_203 = arith.constant 0 : i32
    %dma_wait3A_204 = tpu.memref_slice %arg2[%dma_wait3A_202, %dma_wait3A_203] : memref<64x1000000xf32, #tpu.memory_space<hbm>> -> memref<64x128xf32, #tpu.memory_space<hbm>>
    %dma_wait3A_205 = arith.constant 0 : i32
    %dma_wait3A_206 = arith.constant 0 : i32
    %dma_wait3A_207 = tpu.memref_slice %arg8[%dma_wait3A_197, %dma_wait3A_205, %dma_wait3A_206] : memref<8x64x128xf32, #tpu.memory_space<vmem>> -> memref<1x64x128xf32, #tpu.memory_space<vmem>>
    %dma_wait3A_208 = tpu.memref_squeeze %dma_wait3A_207 : memref<1x64x128xf32, #tpu.memory_space<vmem>> -> memref<64x128xf32, #tpu.memory_space<vmem>>
    %dma_wait3A_209 = arith.constant 0 : i32
    %dma_wait3A_210 = arith.constant 0 : i32
    %dma_wait3A_211 = tpu.memref_slice %arg2[%dma_wait3A_209, %dma_wait3A_210] : memref<64x1000000xf32, #tpu.memory_space<hbm>> -> memref<64x128xf32, #tpu.memory_space<hbm>>
    tpu.wait_dma2 semaphore(%arg11 : memref<!tpu.dma_semaphore, #tpu.memory_space<semaphore_mem>>) src(%dma_wait3A_211 : memref<64x128xf32, #tpu.memory_space<hbm>>) dst(%dma_wait3A_208 : memref<64x128xf32, #tpu.memory_space<vmem>>)
    %dma_wait3A_212 = arith.constant 2 : i32
    %dma_wait3A_213 = arith.constant 0 : i32
    %dma_wait3A_214 = arith.constant 0 : i32
    %dma_wait3A_215 = tpu.memref_slice %arg8[%dma_wait3A_212, %dma_wait3A_213, %dma_wait3A_214] : memref<8x64x128xf32, #tpu.memory_space<vmem>> -> memref<1x64x128xf32, #tpu.memory_space<vmem>>
    %dma_wait3A_216 = tpu.memref_squeeze %dma_wait3A_215 : memref<1x64x128xf32, #tpu.memory_space<vmem>> -> memref<64x128xf32, #tpu.memory_space<vmem>>
    %dma_wait3A_217 = arith.constant 0 : i32
    %dma_wait3A_218 = arith.constant 0 : i32
    %dma_wait3A_219 = tpu.memref_slice %arg2[%dma_wait3A_217, %dma_wait3A_218] : memref<64x1000000xf32, #tpu.memory_space<hbm>> -> memref<64x128xf32, #tpu.memory_space<hbm>>
    %dma_wait3A_220 = arith.constant 0 : i32
    %dma_wait3A_221 = arith.constant 0 : i32
    %dma_wait3A_222 = tpu.memref_slice %arg8[%dma_wait3A_212, %dma_wait3A_220, %dma_wait3A_221] : memref<8x64x128xf32, #tpu.memory_space<vmem>> -> memref<1x64x128xf32, #tpu.memory_space<vmem>>
    %dma_wait3A_223 = tpu.memref_squeeze %dma_wait3A_222 : memref<1x64x128xf32, #tpu.memory_space<vmem>> -> memref<64x128xf32, #tpu.memory_space<vmem>>
    %dma_wait3A_224 = arith.constant 0 : i32
    %dma_wait3A_225 = arith.constant 0 : i32
    %dma_wait3A_226 = tpu.memref_slice %arg2[%dma_wait3A_224, %dma_wait3A_225] : memref<64x1000000xf32, #tpu.memory_space<hbm>> -> memref<64x128xf32, #tpu.memory_space<hbm>>
    tpu.wait_dma2 semaphore(%arg12 : memref<!tpu.dma_semaphore, #tpu.memory_space<semaphore_mem>>) src(%dma_wait3A_226 : memref<64x128xf32, #tpu.memory_space<hbm>>) dst(%dma_wait3A_223 : memref<64x128xf32, #tpu.memory_space<vmem>>)
    %dma_wait3A_227 = arith.constant 3 : i32
    %dma_wait3A_228 = arith.constant 0 : i32
    %dma_wait3A_229 = arith.constant 0 : i32
    %dma_wait3A_230 = tpu.memref_slice %arg8[%dma_wait3A_227, %dma_wait3A_228, %dma_wait3A_229] : memref<8x64x128xf32, #tpu.memory_space<vmem>> -> memref<1x64x128xf32, #tpu.memory_space<vmem>>
    %dma_wait3A_231 = tpu.memref_squeeze %dma_wait3A_230 : memref<1x64x128xf32, #tpu.memory_space<vmem>> -> memref<64x128xf32, #tpu.memory_space<vmem>>
    %dma_wait3A_232 = arith.constant 0 : i32
    %dma_wait3A_233 = arith.constant 0 : i32
    %dma_wait3A_234 = tpu.memref_slice %arg2[%dma_wait3A_232, %dma_wait3A_233] : memref<64x1000000xf32, #tpu.memory_space<hbm>> -> memref<64x128xf32, #tpu.memory_space<hbm>>
    %dma_wait3A_235 = arith.constant 0 : i32
    %dma_wait3A_236 = arith.constant 0 : i32
    %dma_wait3A_237 = tpu.memref_slice %arg8[%dma_wait3A_227, %dma_wait3A_235, %dma_wait3A_236] : memref<8x64x128xf32, #tpu.memory_space<vmem>> -> memref<1x64x128xf32, #tpu.memory_space<vmem>>
    %dma_wait3A_238 = tpu.memref_squeeze %dma_wait3A_237 : memref<1x64x128xf32, #tpu.memory_space<vmem>> -> memref<64x128xf32, #tpu.memory_space<vmem>>
    %dma_wait3A_239 = arith.constant 0 : i32
    %dma_wait3A_240 = arith.constant 0 : i32
    %dma_wait3A_241 = tpu.memref_slice %arg2[%dma_wait3A_239, %dma_wait3A_240] : memref<64x1000000xf32, #tpu.memory_space<hbm>> -> memref<64x128xf32, #tpu.memory_space<hbm>>
    tpu.wait_dma2 semaphore(%arg13 : memref<!tpu.dma_semaphore, #tpu.memory_space<semaphore_mem>>) src(%dma_wait3A_241 : memref<64x128xf32, #tpu.memory_space<hbm>>) dst(%dma_wait3A_238 : memref<64x128xf32, #tpu.memory_space<vmem>>)
    %dma_wait3A_242 = arith.constant 4 : i32
    %dma_wait3A_243 = arith.constant 0 : i32
    %dma_wait3A_244 = arith.constant 0 : i32
    %dma_wait3A_245 = tpu.memref_slice %arg8[%dma_wait3A_242, %dma_wait3A_243, %dma_wait3A_244] : memref<8x64x128xf32, #tpu.memory_space<vmem>> -> memref<1x64x128xf32, #tpu.memory_space<vmem>>
    %dma_wait3A_246 = tpu.memref_squeeze %dma_wait3A_245 : memref<1x64x128xf32, #tpu.memory_space<vmem>> -> memref<64x128xf32, #tpu.memory_space<vmem>>
    %dma_wait3A_247 = arith.constant 0 : i32
    %dma_wait3A_248 = arith.constant 0 : i32
    %dma_wait3A_249 = tpu.memref_slice %arg2[%dma_wait3A_247, %dma_wait3A_248] : memref<64x1000000xf32, #tpu.memory_space<hbm>> -> memref<64x128xf32, #tpu.memory_space<hbm>>
    %dma_wait3A_250 = arith.constant 0 : i32
    %dma_wait3A_251 = arith.constant 0 : i32
    %dma_wait3A_252 = tpu.memref_slice %arg8[%dma_wait3A_242, %dma_wait3A_250, %dma_wait3A_251] : memref<8x64x128xf32, #tpu.memory_space<vmem>> -> memref<1x64x128xf32, #tpu.memory_space<vmem>>
    %dma_wait3A_253 = tpu.memref_squeeze %dma_wait3A_252 : memref<1x64x128xf32, #tpu.memory_space<vmem>> -> memref<64x128xf32, #tpu.memory_space<vmem>>
    %dma_wait3A_254 = arith.constant 0 : i32
    %dma_wait3A_255 = arith.constant 0 : i32
    %dma_wait3A_256 = tpu.memref_slice %arg2[%dma_wait3A_254, %dma_wait3A_255] : memref<64x1000000xf32, #tpu.memory_space<hbm>> -> memref<64x128xf32, #tpu.memory_space<hbm>>
    tpu.wait_dma2 semaphore(%arg14 : memref<!tpu.dma_semaphore, #tpu.memory_space<semaphore_mem>>) src(%dma_wait3A_256 : memref<64x128xf32, #tpu.memory_space<hbm>>) dst(%dma_wait3A_253 : memref<64x128xf32, #tpu.memory_space<vmem>>)
    %dma_wait3A_257 = arith.constant 5 : i32
    %dma_wait3A_258 = arith.constant 0 : i32
    %dma_wait3A_259 = arith.constant 0 : i32
    %dma_wait3A_260 = tpu.memref_slice %arg8[%dma_wait3A_257, %dma_wait3A_258, %dma_wait3A_259] : memref<8x64x128xf32, #tpu.memory_space<vmem>> -> memref<1x64x128xf32, #tpu.memory_space<vmem>>
    %dma_wait3A_261 = tpu.memref_squeeze %dma_wait3A_260 : memref<1x64x128xf32, #tpu.memory_space<vmem>> -> memref<64x128xf32, #tpu.memory_space<vmem>>
    %dma_wait3A_262 = arith.constant 0 : i32
    %dma_wait3A_263 = arith.constant 0 : i32
    %dma_wait3A_264 = tpu.memref_slice %arg2[%dma_wait3A_262, %dma_wait3A_263] : memref<64x1000000xf32, #tpu.memory_space<hbm>> -> memref<64x128xf32, #tpu.memory_space<hbm>>
    %dma_wait3A_265 = arith.constant 0 : i32
    %dma_wait3A_266 = arith.constant 0 : i32
    %dma_wait3A_267 = tpu.memref_slice %arg8[%dma_wait3A_257, %dma_wait3A_265, %dma_wait3A_266] : memref<8x64x128xf32, #tpu.memory_space<vmem>> -> memref<1x64x128xf32, #tpu.memory_space<vmem>>
    %dma_wait3A_268 = tpu.memref_squeeze %dma_wait3A_267 : memref<1x64x128xf32, #tpu.memory_space<vmem>> -> memref<64x128xf32, #tpu.memory_space<vmem>>
    %dma_wait3A_269 = arith.constant 0 : i32
    %dma_wait3A_270 = arith.constant 0 : i32
    %dma_wait3A_271 = tpu.memref_slice %arg2[%dma_wait3A_269, %dma_wait3A_270] : memref<64x1000000xf32, #tpu.memory_space<hbm>> -> memref<64x128xf32, #tpu.memory_space<hbm>>
    tpu.wait_dma2 semaphore(%arg15 : memref<!tpu.dma_semaphore, #tpu.memory_space<semaphore_mem>>) src(%dma_wait3A_271 : memref<64x128xf32, #tpu.memory_space<hbm>>) dst(%dma_wait3A_268 : memref<64x128xf32, #tpu.memory_space<vmem>>)
    %dma_wait3A_272 = arith.constant 6 : i32
    %dma_wait3A_273 = arith.constant 0 : i32
    %dma_wait3A_274 = arith.constant 0 : i32
    %dma_wait3A_275 = tpu.memref_slice %arg8[%dma_wait3A_272, %dma_wait3A_273, %dma_wait3A_274] : memref<8x64x128xf32, #tpu.memory_space<vmem>> -> memref<1x64x128xf32, #tpu.memory_space<vmem>>
    %dma_wait3A_276 = tpu.memref_squeeze %dma_wait3A_275 : memref<1x64x128xf32, #tpu.memory_space<vmem>> -> memref<64x128xf32, #tpu.memory_space<vmem>>
    %dma_wait3A_277 = arith.constant 0 : i32
    %dma_wait3A_278 = arith.constant 0 : i32
    %dma_wait3A_279 = tpu.memref_slice %arg2[%dma_wait3A_277, %dma_wait3A_278] : memref<64x1000000xf32, #tpu.memory_space<hbm>> -> memref<64x128xf32, #tpu.memory_space<hbm>>
    %dma_wait3A_280 = arith.constant 0 : i32
    %dma_wait3A_281 = arith.constant 0 : i32
    %dma_wait3A_282 = tpu.memref_slice %arg8[%dma_wait3A_272, %dma_wait3A_280, %dma_wait3A_281] : memref<8x64x128xf32, #tpu.memory_space<vmem>> -> memref<1x64x128xf32, #tpu.memory_space<vmem>>
    %dma_wait3A_283 = tpu.memref_squeeze %dma_wait3A_282 : memref<1x64x128xf32, #tpu.memory_space<vmem>> -> memref<64x128xf32, #tpu.memory_space<vmem>>
    %dma_wait3A_284 = arith.constant 0 : i32
    %dma_wait3A_285 = arith.constant 0 : i32
    %dma_wait3A_286 = tpu.memref_slice %arg2[%dma_wait3A_284, %dma_wait3A_285] : memref<64x1000000xf32, #tpu.memory_space<hbm>> -> memref<64x128xf32, #tpu.memory_space<hbm>>
    tpu.wait_dma2 semaphore(%arg16 : memref<!tpu.dma_semaphore, #tpu.memory_space<semaphore_mem>>) src(%dma_wait3A_286 : memref<64x128xf32, #tpu.memory_space<hbm>>) dst(%dma_wait3A_283 : memref<64x128xf32, #tpu.memory_space<vmem>>)
    %dma_wait3A_287 = arith.constant 7 : i32
    %dma_wait3A_288 = arith.constant 0 : i32
    %dma_wait3A_289 = arith.constant 0 : i32
    %dma_wait3A_290 = tpu.memref_slice %arg8[%dma_wait3A_287, %dma_wait3A_288, %dma_wait3A_289] : memref<8x64x128xf32, #tpu.memory_space<vmem>> -> memref<1x64x128xf32, #tpu.memory_space<vmem>>
    %dma_wait3A_291 = tpu.memref_squeeze %dma_wait3A_290 : memref<1x64x128xf32, #tpu.memory_space<vmem>> -> memref<64x128xf32, #tpu.memory_space<vmem>>
    %dma_wait3A_292 = arith.constant 0 : i32
    %dma_wait3A_293 = arith.constant 0 : i32
    %dma_wait3A_294 = tpu.memref_slice %arg2[%dma_wait3A_292, %dma_wait3A_293] : memref<64x1000000xf32, #tpu.memory_space<hbm>> -> memref<64x128xf32, #tpu.memory_space<hbm>>
    %dma_wait3A_295 = arith.constant 0 : i32
    %dma_wait3A_296 = arith.constant 0 : i32
    %dma_wait3A_297 = tpu.memref_slice %arg8[%dma_wait3A_287, %dma_wait3A_295, %dma_wait3A_296] : memref<8x64x128xf32, #tpu.memory_space<vmem>> -> memref<1x64x128xf32, #tpu.memory_space<vmem>>
    %dma_wait3A_298 = tpu.memref_squeeze %dma_wait3A_297 : memref<1x64x128xf32, #tpu.memory_space<vmem>> -> memref<64x128xf32, #tpu.memory_space<vmem>>
    %dma_wait3A_299 = arith.constant 0 : i32
    %dma_wait3A_300 = arith.constant 0 : i32
    %dma_wait3A_301 = tpu.memref_slice %arg2[%dma_wait3A_299, %dma_wait3A_300] : memref<64x1000000xf32, #tpu.memory_space<hbm>> -> memref<64x128xf32, #tpu.memory_space<hbm>>
    tpu.wait_dma2 semaphore(%arg17 : memref<!tpu.dma_semaphore, #tpu.memory_space<semaphore_mem>>) src(%dma_wait3A_301 : memref<64x128xf32, #tpu.memory_space<hbm>>) dst(%dma_wait3A_298 : memref<64x128xf32, #tpu.memory_space<vmem>>)
    "tpu.region"() ({
      %run_scoped3A = tpu.sem_alloc : memref<!tpu.dma_semaphore, #tpu.memory_space<semaphore_mem>>
      %dma_start3A_302 = arith.constant 0 : i32
      %dma_start3A_303 = tpu.memref_slice %arg5[%dma_start3A_302, %mul3A_2] : memref<64x16384xf32, #tpu.memory_space<hbm>> -> memref<64x512xf32, #tpu.memory_space<hbm>>
      %dma_start3A_304 = arith.constant 0 : i32
      %dma_start3A_305 = tpu.memref_slice %arg5[%dma_start3A_304, %mul3A_2] : memref<64x16384xf32, #tpu.memory_space<hbm>> -> memref<64x512xf32, #tpu.memory_space<hbm>>
      tpu.enqueue_dma source(%arg9 : memref<64x512xf32, #tpu.memory_space<vmem>>) target(%dma_start3A_305 : memref<64x512xf32, #tpu.memory_space<hbm>>) target_semaphore(%run_scoped3A : memref<!tpu.dma_semaphore, #tpu.memory_space<semaphore_mem>>)
      %dma_wait3A_306 = arith.constant 0 : i32
      %dma_wait3A_307 = tpu.memref_slice %arg5[%dma_wait3A_306, %mul3A_2] : memref<64x16384xf32, #tpu.memory_space<hbm>> -> memref<64x512xf32, #tpu.memory_space<hbm>>
      %dma_wait3A_308 = arith.constant 0 : i32
      %dma_wait3A_309 = tpu.memref_slice %arg5[%dma_wait3A_308, %mul3A_2] : memref<64x16384xf32, #tpu.memory_space<hbm>> -> memref<64x512xf32, #tpu.memory_space<hbm>>
      tpu.wait_dma2 semaphore(%run_scoped3A : memref<!tpu.dma_semaphore, #tpu.memory_space<semaphore_mem>>) src(%arg9 : memref<64x512xf32, #tpu.memory_space<vmem>>) dst(%dma_wait3A_309 : memref<64x512xf32, #tpu.memory_space<hbm>>)
      tpu.yield
    }) : () -> ()
    return
  }
}

</mosaic_0001>

<sc_bundles>
// kernel: kernel.3.cloned.1.call-start
scs
__scs_entry_jumppad:
0x0: {  	(pc) =	sbr.rel $0x88, $3  }
0x1: {  	(tag) =	ssettag $0x0;
	lr =	simm.s32 $0x1  }
0x2: {  	[smem:$0x3F9F] =	sst lr;
	_ =	strace $0xD0000000  }
0x3: {  	_ = 	snop  }
0x4: {  	_ = 	snop  }
0x5: {  	_ = 	snop  }
0x6: {  	_ = 	snop  }
0x7: {  	_ = 	snop  }
__scs_overlays_trampoline_lowered:
0x8: {  	[smem:$0x3FAE] =	sst s0  }
0x9: {  	[smem:$0x3FAF] =	sst s1  }
0xa: {  	[smem:$0x3FB0] =	sst s2  }
0xb: {  	[smem:$0x3FB1] =	sst s3  }
0xc: {  	[smem:$0x3FB2] =	sst s4  }
0xd: {  	[smem:$0x3FB3] =	sst s5  }
0xe: {  	[smem:$0x3FB4] =	sst s6  }
0xf: {  	[smem:$0x3FB5] =	sst s7  }
0x10: {  	[smem:$0x3FB6] =	sst s8  }
0x11: {  	[smem:$0x3FB7] =	sst s9;
	s0 =	simm.s32 @!p0 $0x0  }
0x12: {  	s1 =	sld [smem:$0x3F9D];
	s0 =	simm.s32 @p0 $0x1  }
0x13: {  	[smem:$0x3FB8] =	sst s0;
	s0 =	simm.s32 @!p1 $0x0  }
0x14: {  	s2 =	sld [smem:$0x3F9C];
	s0 =	simm.s32 @p1 $0x1  }
0x15: {  	[smem:$0x3FB9] =	sst s0;
	s0 =	simm.s32 @!p2 $0x0  }
0x16: {  	s3 =	sld [smem:$0x3FDB];
	s0 =	simm.s32 @p2 $0x1  }
0x17: {  	s4 =	simm.s32 $0x1BF5;
	[smem:$0x3FBB] =	sst s0  }
0x18: {  	s0 =	sld [smem:$0x3F9E];
	_ =	swait.ge [sflag:s4], $0x0  }
0x19: {  	s7 =	sld [smem:$0x3F9F]  }
0x1a: {  	s8 =	sadd.s32 $0xFFFFE003, lr  }
0x1b: {  	s9 =	sadd.s32 $0xFFFFFEF7, lr;
	s5 =	simm.s32 $0xFFFFFFFF;
	p2 =	slt.u32 s8, $0xFFFFF086  }
0x1c: {  	p1 =	slt.u32 s9, $0xF7A;
	s5 =	simm.s32 @!p2 $0x0  }
0x1d: {  	s5 =	simm.s32 @p1 $0x1;
	p0 =	seq.s32 s7, s2  }
0x1e: {  	s7 =	smul.u32 @!p0 $0xF7A, s2;
	p2 =	seq.s32 @!p0 s5, $0x0  }
0x1f: {  	s9 =	smul.u32 $0xF7A, s1;
	s8 =	simm.s32 @!p0 $0x1BF5;
	p2 =	por !p2, p0  }
0x20: {  	[sflag:s8] =	ssyncset.s32 @!p0 $0xFFFFF086;
	s6 =	sadd.s32 @!p0 s3, s7;
	s7 =	simm.s32 @!p0 $0x108  }
0x21: {  	s3 =	sadd.s32 s3, s9;
	s6 =	sadd.s32 @!p0 $0x88, s6;
	s7 =	simm.s32 @p2 $0x1082  }
0x22: {  	[simem:s7], [sflag:s8] =	dma.local @!p0 [hbm:s6], $0xF7A  }
0x23: {  	s9 =	sor.u32 $0xD0000000, s2;
	s6 =	simm.s32 $0x108;
	_ =	swait.ge @!p0 [sflag:s8], $0x0  }
0x24: {  	s3 =	sadd.s32 $0x88, s3;
	s6 =	simm.s32 @!p1 $0x1082;
	[sflag:s4] =	ssyncset.s32 $0xFFFFF086  }
0x25: {  	[simem:s6], [sflag:s4] =	dma.local [hbm:s3], $0xF7A  }
0x26: {  	[smem:$0x3F9F] =	sst s1;
	(tag) =	ssettag s2;
	_ =	strace s9  }
0x27: {  	s1 =	sld [smem:$0x3FAF]  }
0x28: {  	s2 =	sld [smem:$0x3FB0]  }
0x29: {  	s4 =	sld [smem:$0x3FB2]  }
0x2a: {  	p0 =	seq.s32 s5, $0x0;
	s5 =	sld [smem:$0x3FB3]  }
0x2b: {  	s6 =	sld [smem:$0x3FB4]  }
0x2c: {  	s7 =	sld [smem:$0x3FB5]  }
0x2d: {  	s3 =	simm.s32 $0x108;
	s8 =	sld [smem:$0x3FB6]  }
0x2e: {  	s3 =	simm.s32 @!p0 $0x1082;
	s9 =	sld [smem:$0x3FB7]  }
0x2f: {  	lr =	sadd.s32 s0, s3;
	s0 =	sld [smem:$0x3FAE]  }
0x30: {  	s3 =	sld [smem:$0x3FB1]  }
0x31: {  	[smem:$0x3FBA] =	sst s10  }
0x32: {  	s10 =	sld [smem:$0x3FB8];
	_ =	sdelay $0x3  }
0x33: {  	p0 =	seq.s32 s10, $0x1;
	s10 =	sld [smem:$0x3FBA];
	_ =	sdelay $0x3  }
0x34: {  	[smem:$0x3FBA] =	sst s10  }
0x35: {  	s10 =	sld [smem:$0x3FB9];
	_ =	sdelay $0x3  }
0x36: {  	p1 =	seq.s32 s10, $0x1;
	s10 =	sld [smem:$0x3FBA];
	_ =	sdelay $0x3  }
0x37: {  	[smem:$0x3FBA] =	sst s10  }
0x38: {  	s10 =	sld [smem:$0x3FBB]  }
0x39: {  	_ = 	snop;
	(pc) =	sbr.ind lr, $3  }
0x3a: {  	_ = 	snop  }
0x3b: {  	_ = 	snop  }
0x3c: {  	p2 =	seq.s32 s10, $0x1;
	s10 =	sld [smem:$0x3FBA]  }
0x3d: {  	_ =	shalt  }
0x3e: {  	_ =	shalt  }
0x3f: {  	_ =	shalt  }
0x40: {  	_ =	shalt  }
0x41: {  	_ =	shalt  }
0x42: {  	_ =	shalt  }
0x43: {  	_ =	shalt  }
0x44: {  	_ =	shalt  }
0x45: {  	_ =	shalt  }
0x46: {  	_ =	shalt  }
0x47: {  	_ =	shalt  }
0x48: {  	_ =	shalt  }
0x49: {  	_ =	shalt  }
0x4a: {  	_ =	shalt  }
0x4b: {  	_ =	shalt  }
0x4c: {  	_ =	shalt  }
0x4d: {  	_ =	shalt  }
0x4e: {  	_ =	shalt  }
0x4f: {  	_ =	shalt  }
0x50: {  	_ =	shalt  }
0x51: {  	_ =	shalt  }
0x52: {  	_ =	shalt  }
0x53: {  	_ =	shalt  }
0x54: {  	_ =	shalt  }
0x55: {  	_ =	shalt  }
0x56: {  	_ =	shalt  }
0x57: {  	_ =	shalt  }
0x58: {  	_ =	shalt  }
0x59: {  	_ =	shalt  }
0x5a: {  	_ =	shalt  }
0x5b: {  	_ =	shalt  }
0x5c: {  	_ =	shalt  }
0x5d: {  	_ =	shalt  }
0x5e: {  	_ =	shalt  }
0x5f: {  	_ =	shalt  }
0x60: {  	_ =	shalt  }
0x61: {  	_ =	shalt  }
0x62: {  	_ =	shalt  }
0x63: {  	_ =	shalt  }
0x64: {  	_ =	shalt  }
0x65: {  	_ =	shalt  }
0x66: {  	_ =	shalt  }
0x67: {  	_ =	shalt  }
0x68: {  	_ =	shalt  }
0x69: {  	_ =	shalt  }
0x6a: {  	_ =	shalt  }
0x6b: {  	_ =	shalt  }
0x6c: {  	_ =	shalt  }
0x6d: {  	_ =	shalt  }
0x6e: {  	_ =	shalt  }
0x6f: {  	_ =	shalt  }
0x70: {  	_ =	shalt  }
0x71: {  	_ =	shalt  }
0x72: {  	_ =	shalt  }
0x73: {  	_ =	shalt  }
0x74: {  	_ =	shalt  }
0x75: {  	_ =	shalt  }
0x76: {  	_ =	shalt  }
0x77: {  	_ =	shalt  }
0x78: {  	_ =	shalt  }
0x79: {  	_ =	shalt  }
0x7a: {  	_ =	shalt  }
0x7b: {  	_ =	shalt  }
0x7c: {  	_ =	shalt  }
0x7d: {  	_ =	shalt  }
0x7e: {  	_ =	shalt  }
0x7f: {  	_ =	shalt  }
0x80: {  	_ =	shalt  }
0x81: {  	_ =	shalt  }
0x82: {  	_ =	shalt  }
0x83: {  	_ =	shalt  }
0x84: {  	_ =	shalt  }
0x85: {  	_ =	shalt  }
0x86: {  	_ =	shalt  }
0x87: {  	_ =	shalt  }
.Lfunc_end0:
.L_simem_size_0:
called_computation_lowered:
.L_overlay_start_0:
0x88: {  	s2 =	sld [smem:$0x3FD9]  }
0x89: {  	s3 =	sld [smem:$0x3FFE];
	_ =	sdelay $0x1  }
0x8a: {  	s1 =	srdreg.scid  }
0x8b: {  	s0 =	sand.u32 $0x1, s1  }
0x8c: {  	s17 =	sshll.u32 s0, $0xA;
	s2 =	sadd.s32 s3, s2  }
0x8d: {  	s2 =	sadd.s32 s2, s17  }
0x8e: {  	[smem:$0x3FC6] =	sst s2  }
0x8f: {  	_ = 	snop  }
0x90: {  	s2 =	sld [smem:$0x3FC9]  }
0x91: {  	s18 =	sld [smem:$0x3FC8]  }
0x92: {  	s4 =	sld [smem:$0x3FD0];
	(tm) =	ssettm $0x1  }
0x93: {  	s5 =	sld [smem:$0x3FFB];
	_ =	sdelay $0x3  }
0x94: {  	_ =	strace s5  }
0x95: {  	s5 =	sld [smem:$0x3FFC];
	_ =	sdelay $0x3  }
0x96: {  	_ =	strace s5  }
0x97: {  	s5 =	sld [smem:$0x3FFD];
	_ =	sdelay $0x3  }
0x98: {  	_ =	strace s5  }
0x99: {  	_ =	strace $0x8FFFFFFF  }
0x9a: {  	s19 =	sld [smem:$0x3FDB];
	_ =	sdelay $0x1  }
0x9b: {  	s6 =	simm.s32 $_scs_section_size  }
0x9c: {  	s7 =	simm.s32 $_size__tile_overlayer_lowered;
	s8 =	simm.s32 $_tile_overlayer_lowered  }
0x9d: {  	s22 =	simm.s32 $0x1BFF;
	s21 =	sshll.u32 s8, $0x1;
	s5 =	sadd.s32 s6, s19  }
0x9e: {  	s9 =	simm.s32 $0x0;
	s20 =	sshll.u32 s7, $0x1;
	s7 =	sadd.s32 s21, s5  }
0x9f: {  	[timem:s9], [sflag:s22] =	dma.local [hbm:s7], s20  }
0xa0: {  	_ =	swait.ge [sflag:s22], s20  }
0xa1: {  	s6 =	ssub.s32 $0x0, s20;
	[sflag:s22] =	ssyncset.done $0x0  }
0xa2: {  	[sflag:s22] =	ssyncadd.s32 s6;
	_ =	sdelay $0x1  }
0xa3: {  	s23 =	simm.s32 $0x1B8B  }
0xa4: {  	_ =	swait.ge [sflag:s23], $0x1  }
0xa5: {  	[sflag:s23] =	ssyncset.done $0x0  }
0xa6: {  	s25 =	simm.s32 $0x1B8E;
	s24 =	sld [smem:$0x3FFE];
	[sflag:s23] =	ssyncadd.s32 $0xFFFFFFFF  }
0xa7: {  	s26 =	simm.s32 $execute0_lowered;
	[smem:$0x3FD2] =	sst s25  }
0xa8: {  	s7 =	sshll.u32 s26, $0x1;
	_ =	strace $0x80000046;
	[dreg:$0x1] =	wrdreg $0xFFFFFFFF  }
0xa9: {  	s28 =	simm.s32 $_size_execute0_lowered;
	s5 =	sadd.s32 s5, s7;
	[dreg:$0x0] =	wrdreg $0x0  }
0xaa: {  	s7 =	sshll.u32 s28, $0x1;
	[dreg:$0x2] =	wrdreg s5  }
0xab: {  	[dreg:$0x3] =	wrdreg s7  }
0xac: {  	[dreg:$0x4] =	wrdreg $0xC0  }
0xad: {  	_ =	task [dreg:s9], $0x5FFFF  }
0xae: {  	[dreg:$0x1] =	wrdreg $0xFFFFFFFF  }
0xaf: {  	[dreg:$0x0] =	wrdreg $0x60  }
0xb0: {  	[dreg:$0x2] =	wrdreg s18  }
0xb1: {  	[dreg:$0x3] =	wrdreg s24  }
0xb2: {  	[dreg:$0x4] =	wrdreg s2  }
0xb3: {  	[dreg:$0x5] =	wrdreg s4  }
0xb4: {  	[dreg:$0x6] =	wrdreg $0x9  }
0xb5: {  	_ =	task.clear_ibuf [dreg:s9], $0x7FFFF;
	_ =	strace $0x90000046  }
0xb6: {  	s29 =	simm.s32 $0x9;
	_ =	strace $0x80000048  }
0xb7: {  	_ =	swait.ge [sflag:s29], $0x1  }
0xb8: {  	[sflag:s29] =	ssyncadd.s32 $0xFFFFFFFF  }
0xb9: {  	_ =	strace $0x90000048  }
0xba: {  	_ =	sfence  }
0xbb: {  	s30 =	sld [smem:$0x0];
	_ =	sdelay $0x2  }
0xbc: {  	s31 =	sshll.u32 s1, $0xD;
	s1 =	sshrl.u32 s1, $0x2  }
0xbd: {  	s3 =	sand.u32 $0x4000, s31;
	s1 =	sadd.s32 s1, s30  }
0xbe: {  	s0 =	sor.u32 s3, s0;
	s1 =	sshll.u32 s1, $0x11  }
0xbf: {  	s0 =	sor.u32 s1, s0  }
0xc0: {  	s0 =	sadd.s32 $0x8F2B, s0  }
0xc1: {  	[sflag:s0] =	ssyncadd.remote.s32 $0x1  }
0xc2: {  	_ =	sfence.sel $0xFFFF  }
0xc3: {  	[dreg:$0x0] =	wrdreg $0xFFFFFFFF;
	(pc) =	sbr.abs _section_cstart, $3  }
0xc4: {  	[dreg:$0x1] =	wrdreg $0xFFFFFFFF  }
0xc5: {  	_ =	task.clear_ibuf [dreg:s9], $0x2FFFF;
	_ =	strace $0x9FFFFFFF  }
0xc6: {  	(tm) =	ssettm $0x7FFFFFFF  }
0xc7: {  	_ =	shalt  }
tec
execute0_lowered:
.L_overlay_start_1:
0x0: {  	(tag) =	ssettag $0x1  }
0x1: {  	v0 =	vimm.s32 $0x1380  }
0x2: {  	vm14 =	vcmask $0x300;
	vm13 =	vcmask $0x704;
	vm12 =	vcmask $0xB08  }
0x3: {  	vm11 =	vcmask $0xF0C;
	vm10 =	vcmask $0x1310;
	vm9 =	vcmask $0x1714  }
0x4: {  	vm8 =	vcmask $0x1B18;
	vm7 =	vcmask $0x1F1C;
	vm6 =	vcmask $0x2320  }
0x5: {  	vm5 =	vcmask $0x2724;
	vm4 =	vcmask $0x2B28;
	vm3 =	vcmask $0x2F2C  }
0x6: {  	v2 =	vlaneseq.u32;
	vm2 =	vcmask $0x3330;
	vm1 =	vcmask $0x3734  }
0x7: {  	vm0 =	vcmask $0x3B38;
	v4 =	vimm.s32 $0x3380;
	v5 =	vimm.s32 $0x5380  }
0x8: {  	v6 =	vimm.s32 $0x7380;
	v0 =	vsel vm14, $0x0, v0;
	v4 =	vsel vm14, $0x2000, v4  }
0x9: {  	v5 =	vsel vm14, $0x4000, v5;
	v6 =	vsel vm14, $0x6000, v6;
	v0 =	vsel vm13, $0x80, v0  }
0xa: {  	v4 =	vsel vm13, $0x2080, v4;
	v5 =	vsel vm13, $0x4080, v5;
	v6 =	vsel vm13, $0x6080, v6  }
0xb: {  	v0 =	vsel vm12, $0x100, v0;
	v4 =	vsel vm12, $0x2100, v4;
	v5 =	vsel vm12, $0x4100, v5  }
0xc: {  	v6 =	vsel vm12, $0x6100, v6;
	v0 =	vsel vm11, $0x180, v0;
	v4 =	vsel vm11, $0x2180, v4  }
0xd: {  	s0 =	rddreg [dreg:$0x0];
	v5 =	vsel vm11, $0x4180, v5;
	v6 =	vsel vm11, $0x6180, v6;
	v0 =	vsel vm10, $0x200, v0  }
0xe: {  	s1 =	rddreg [dreg:$0x1];
	v4 =	vsel vm10, $0x2200, v4;
	v5 =	vsel vm10, $0x4200, v5;
	v6 =	vsel vm10, $0x6200, v6  }
0xf: {  	s3 =	rddreg [dreg:$0x2];
	v0 =	vsel vm9, $0x280, v0;
	v4 =	vsel vm9, $0x2280, v4;
	v5 =	vsel vm9, $0x4280, v5  }
0x10: {  	s6 =	rddreg [dreg:$0x3];
	v6 =	vsel vm9, $0x6280, v6;
	v0 =	vsel vm8, $0x300, v0;
	v4 =	vsel vm8, $0x2300, v4  }
0x11: {  	s2 =	simm.s32 $0x0;
	s4 =	srdreg.scid;
	s9 =	simm.s32 $0x280;
	v5 =	vsel vm8, $0x4300, v5;
	v6 =	vsel vm8, $0x6300, v6;
	v0 =	vsel vm7, $0x380, v0  }
0x12: {  	s26 =	stileid.u32;
	s10 =	simm.s32 $0x7A1400;
	s11 =	simm.s32 $0x400;
	v4 =	vsel vm7, $0x2380, v4;
	v5 =	vsel vm7, $0x4380, v5;
	v6 =	vsel vm7, $0x6380, v6  }
0x13: {  	s12 =	simm.s32 $0x2280;
	s13 =	simm.s32 $0x4280;
	s14 =	simm.s32 $0x6280;
	v0 =	vsel vm6, $0x1000, v0;
	v4 =	vsel vm6, $0x3000, v4;
	v5 =	vsel vm6, $0x5000, v5  }
0x14: {  	s15 =	simm.s32 $0x8280;
	s16 =	simm.s32 $0xA280;
	s17 =	simm.s32 $0xC280;
	v6 =	vsel vm6, $0x7000, v6;
	v1 =	vsel vm5, $0x1080, v0;
	v0 =	vimm.s32 $0x0  }
0x15: {  	s18 =	simm.s32 $0xE280;
	s19 =	simm.s32 $0x10280;
	s20 =	simm.s32 $0x1;
	v4 =	vsel vm5, $0x3080, v4;
	v5 =	vsel vm5, $0x5080, v5;
	v6 =	vsel vm5, $0x7080, v6  }
0x16: {  	s21 =	simm.s32 $0x12280;
	s22 =	simm.s32 $0x2;
	s23 =	simm.s32 $0x3;
	v1 =	vsel vm4, $0x1100, v1;
	v4 =	vsel vm4, $0x3100, v4;
	v5 =	vsel vm4, $0x5100, v5  }
0x17: {  	s24 =	simm.s32 $0x4;
	s25 =	simm.s32 $0x5;
	s28 =	simm.s32 $0x7;
	v6 =	vsel vm4, $0x7100, v6;
	v3 =	vsel vm3, $0x1180, v1;
	v1 =	vmul.u32 $0x80, v2  }
0x18: {  	s29 =	simm.s32 $0x8;
	[smem:$0x7FF] =	sst s2;
	s4 =	sand.u32 $0x1, s4;
	v4 =	vsel vm3, $0x3180, v4;
	v5 =	vsel vm3, $0x5180, v5;
	v6 =	vsel vm3, $0x7180, v6  }
0x19: {  	s7 =	sshll.u32 s26, $0xA;
	s26 =	simm.s32 $0x6;
	s5 =	ssub.s32 $0x2, s4;
	v2 =	vsel vm2, $0x1200, v3;
	v4 =	vsel vm2, $0x3200, v4;
	v7 =	vsel vm2, $0x5200, v5  }
0x1a: {  	s4 =	sshll.u32 s4, $0x9;
	_ =	strace $0x80000047;
	s8 =	sshrl.u32 s5, $0x1;
	v6 =	vsel vm2, $0x7200, v6;
	v2 =	vsel vm1, $0x1280, v2;
	v3 =	vor.u32 $0x800, v1  }
0x1b: {  	s7 =	sor.u32 s4, s7;
	s4 =	sadd.s32 $0x400, s1;
	s1 =	simm.s32 $0x0;
	v4 =	vsel vm1, $0x3280, v4;
	v5 =	vor.u32 $0x1000, v1;
	v7 =	vsel vm1, $0x5280, v7  }
0x1c: {  	s30 =	ssub.s32 s5, s8;
	s31 =	sshrl.u32 s7, $0x3;
	s6 =	sadd.s32 s6, s7;
	v8 =	vsel vm1, $0x7280, v6;
	v2 =	vsel vm0, $0x1300, v2;
	v4 =	vsel vm0, $0x3300, v4  }
0x1d: {  	s7 =	simm.s32 $0x9;
	s5 =	sadd.s32 s3, s31;
	s8 =	smax.u32 s30, $0x1;
	v6 =	vsel vm0, $0x5300, v7;
	v7 =	vor.u32 $0x1800, v1;
	v8 =	vsel vm0, $0x7300, v8  }
.LBB2_1:
0x1e: {  	[tilespmem:$0x200] =	vst v0  }
0x1f: {  	[tilespmem:$0x210] =	vst v0;
	s2 =	simm.s32 $0x0  }
0x20: {  	[tilespmem:s2], [sflag:$0x9] =	stream.linear.gather [hbm4b:s5+s2], $0x200, $0x38;
	[tilespmem:$0x1A280] =	vst v63  }
0x21: {  	_ =	swait.ge [sflag:s7], $0x200  }
0x22: {  	[sflag:s7] =	ssyncset.done $0x0  }
0x23: {  	[sflag:s7] =	ssyncadd.s32 $0xFFFFFE00  }
0x24: {  	[tilespmem:s9], [sflag:$0x9] =	stream.linear.gather [hbm4b:s4+s2], $0x2000, $0x38;
	[tilespmem:$0x1A280] =	vst v63  }
0x25: {  	_ =	swait.ge [sflag:s7], $0x2000  }
0x26: {  	[sflag:s7] =	ssyncset.done $0x0  }
0x27: {  	[sflag:s7] =	ssyncadd.s32 $0xFFFFE000  }
0x28: {  	v9 =	vld [tilespmem:$0x0];
	_ =	sdelay $0x4  }
0x29: {  	v9 =	vshrl.u32 v9, $0x7  }
0x2a: {  	(v2sf) =	vpush v9, $0x0;
	_ =	sdelay $0x5  }
0x2b: {  	(v2sf) =	vpush v9, $0x1;
	_ =	sdelay $0x2  }
0x2c: {  	(v2sf) =	vpush v9, $0x2;
	_ =	sdelay $0x5  }
0x2d: {  	s3 =	spop (v2sf);
	(v2sf) =	vpush v9, $0x3;
	_ =	sdelay $0x2  }
0x2e: {  	(v2sf) =	vpush v9, $0x4;
	_ =	sdelay $0x1  }
0x2f: {  	s3 =	smin.u32 s3, $0x1E83  }
0x30: {  	s31 =	spop (v2sf);
	s3 =	sshll.u32 s3, $0x7;
	(v2sf) =	vpush v9, $0x5  }
0x31: {  	s3 =	sadd.s32 s0, s3  }
0x32: {  	[tilespmem:s12], [sflag:$0x1] =	stream.strided.gather [hbm4b:s3+s11], $0x2000, s10, s11, $0x38;
	[tilespmem:$0x1A280] =	vst v63  }
0x33: {  	s2 =	spop (v2sf);
	(v2sf) =	vpush v9, $0x6;
	s3 =	smin.u32 s31, $0x1E83  }
0x34: {  	s3 =	sshll.u32 s3, $0x7  }
0x35: {  	s3 =	sadd.s32 s0, s3  }
0x36: {  	[tilespmem:s13], [sflag:$0x2] =	stream.strided.gather [hbm4b:s3+s11], $0x2000, s10, s11, $0x38;
	[tilespmem:$0x1A280] =	vst v63  }
0x37: {  	s3 =	smin.u32 s2, $0x1E83  }
0x38: {  	s3 =	sshll.u32 s3, $0x7  }
0x39: {  	s3 =	sadd.s32 s0, s3;
	s31 =	spop (v2sf);
	(v2sf) =	vpush v9, $0x7  }
0x3a: {  	[tilespmem:s14], [sflag:$0x3] =	stream.strided.gather [hbm4b:s3+s11], $0x2000, s10, s11, $0x38;
	[tilespmem:$0x1A280] =	vst v63  }
0x3b: {  	s3 =	smin.u32 s31, $0x1E83  }
0x3c: {  	s30 =	spop (v2sf);
	s3 =	sshll.u32 s3, $0x7  }
0x3d: {  	s2 =	smin.u32 s30, $0x1E83;
	s3 =	sadd.s32 s0, s3  }
0x3e: {  	[tilespmem:s15], [sflag:$0x4] =	stream.strided.gather [hbm4b:s3+s11], $0x2000, s10, s11, $0x38;
	[tilespmem:$0x1A280] =	vst v63  }
0x3f: {  	s30 =	spop (v2sf);
	s3 =	sshll.u32 s2, $0x7  }
0x40: {  	s31 =	smin.u32 s30, $0x1E83;
	s3 =	sadd.s32 s0, s3  }
0x41: {  	[tilespmem:s16], [sflag:$0x5] =	stream.strided.gather [hbm4b:s3+s11], $0x2000, s10, s11, $0x38;
	[tilespmem:$0x1A280] =	vst v63  }
0x42: {  	s30 =	spop (v2sf);
	s3 =	sshll.u32 s31, $0x7  }
0x43: {  	s2 =	smin.u32 s30, $0x1E83;
	s3 =	sadd.s32 s0, s3  }
0x44: {  	[tilespmem:s17], [sflag:$0x6] =	stream.strided.gather [hbm4b:s3+s11], $0x2000, s10, s11, $0x38;
	[tilespmem:$0x1A280] =	vst v63  }
0x45: {  	s3 =	sshll.u32 s2, $0x7  }
0x46: {  	s3 =	sadd.s32 s0, s3  }
0x47: {  	[tilespmem:s18], [sflag:$0x7] =	stream.strided.gather [hbm4b:s3+s11], $0x2000, s10, s11, $0x38;
	[tilespmem:$0x1A280] =	vst v63  }
0x48: {  	s31 =	spop (v2sf)  }
0x49: {  	s3 =	smin.u32 s31, $0x1E83  }
0x4a: {  	s3 =	sshll.u32 s3, $0x7  }
0x4b: {  	s3 =	sadd.s32 s0, s3  }
0x4c: {  	[tilespmem:s19], [sflag:$0x8] =	stream.strided.gather [hbm4b:s3+s11], $0x2000, s10, s11, $0x38;
	[tilespmem:$0x1A280] =	vst v63  }
0x4d: {  	s30 =	simm.s32 $0x7;
	s3 =	simm.s32 $0x0  }
.LBB2_2:
0x4e: {  	v9 =	vld [tilespmem:s3+$0x0];
	_ =	sdelay $0x3  }
0x4f: {  	_ =	swait.ge [sflag:s20], $0x2000  }
0x50: {  	(v2sf) =	vpush v9, $0x0;
	_ =	sdelay $0xe  }
0x51: {  	s31 =	spop (v2sf)  }
0x52: {  	s2 =	sadd.s32 $0xFFFFFFF9, s30;
	p0 =	slt.s32 s31, $0xF4200  }
0x53: {  	v11 =	vmov s2;
	s2 =	sand.u32 @p0 $0x7F, s31  }
0x54: {  	v12 =	vor.u32 @p0 s2, v1;
	_ =	sdelay $0x1  }
0x55: {  	v10 =	vand.u32 $0x78, v11;
	v11 =	vshll.u32 v11, $0x3  }
0x56: {  	[sflag:s20] =	ssyncset.done $0x0;
	v11 =	vand.u32 @p0 $0xC00, v11  }
0x57: {  	[sflag:s20] =	ssyncadd.s32 $0xFFFFE000;
	v10 =	vor.u32 @p0 v10, v11  }
0x58: {  	v11 =	vld.idx.msk @p0 [tilespmem:v12+s12+$0x0], $0xffff;
	v12 =	vor.u32 @p0 v2, v10  }
0x59: {  	v13 =	vor.u32 @p0 s2, v3;
	_ =	sdelay $0x3  }
0x5a: {  	[tilespmem:v12+s21+$0x0] =	vst.idx.msk @p0 $0xffff, v11  }
0x5b: {  	v12 =	vor.u32 @p0 v4, v10;
	v11 =	vld.idx.msk @p0 [tilespmem:v13+s12+$0x0], $0xffff  }
0x5c: {  	v13 =	vor.u32 @p0 s2, v5;
	_ =	sdelay $0x3  }
0x5d: {  	[tilespmem:v12+s21+$0x0] =	vst.idx.msk @p0 $0xffff, v11  }
0x5e: {  	v12 =	vor.u32 @p0 v6, v10;
	v11 =	vld.idx.msk @p0 [tilespmem:v13+s12+$0x0], $0xffff  }
0x5f: {  	v13 =	vor.u32 @p0 s2, v7;
	_ =	sdelay $0x3  }
0x60: {  	[tilespmem:v12+s21+$0x0] =	vst.idx.msk @p0 $0xffff, v11  }
0x61: {  	v11 =	vld.idx.msk @p0 [tilespmem:v13+s12+$0x0], $0xffff  }
0x62: {  	s2 =	sadd.s32 @!p0 $0xFFF0BE00, s31  }
0x63: {  	v12 =	vadd.s32 @!p0 s2, v1;
	_ =	sdelay $0x2  }
0x64: {  	v11 =	vand.u32 @!p0 $0xC00, v11  }
0x65: {  	v10 =	vor.u32 @!p0 v10, v11  }
0x66: {  	v11 =	vld.idx.msk @!p0 [tilespmem:v12+s9+$0x0], $0xffff;
	v12 =	vor.u32 @!p0 v2, v10  }
0x67: {  	v13 =	vadd.s32 @!p0 s2, v3;
	_ =	sdelay $0x2  }
0x68: {  	(v2sf) =	vpush v9, $0x8  }
0x69: {  	[tilespmem:v12+s21+$0x0] =	vst.idx.msk @!p0 $0xffff, v11  }
0x6a: {  	v12 =	vor.u32 @!p0 v4, v10;
	v11 =	vld.idx.msk @!p0 [tilespmem:v13+s9+$0x0], $0xffff  }
0x6b: {  	v13 =	vadd.s32 @!p0 s2, v5;
	_ =	sdelay $0x3  }
0x6c: {  	[tilespmem:v12+s21+$0x0] =	vst.idx.msk @!p0 $0xffff, v11  }
0x6d: {  	v12 =	vor.u32 @!p0 v6, v10;
	v11 =	vld.idx.msk @!p0 [tilespmem:v13+s9+$0x0], $0xffff  }
0x6e: {  	v13 =	vadd.s32 @!p0 s2, v7;
	_ =	sdelay $0x3  }
0x6f: {  	[tilespmem:v12+s21+$0x0] =	vst.idx.msk @!p0 $0xffff, v11  }
0x70: {  	v10 =	vor.u32 v8, v10;
	v11 =	vld.idx.msk @!p0 [tilespmem:v13+s9+$0x0], $0xffff  }
0x71: {  	s31 =	spop (v2sf)  }
0x72: {  	s2 =	sshrl.u32 s31, $0x7  }
0x73: {  	s2 =	smin.u32 s2, $0x1E83  }
0x74: {  	s2 =	sshll.u32 s2, $0x7  }
0x75: {  	s2 =	sadd.s32 s0, s2;
	[tilespmem:v10+s21+$0x0] =	vst.idx.msk $0xffff, v11  }
0x76: {  	[tilespmem:s12], [sflag:$0x1] =	stream.strided.gather [hbm4b:s2+s11], $0x2000, s10, s11, $0x38;
	[tilespmem:$0x1A280] =	vst v63  }
0x77: {  	_ =	swait.ge [sflag:s22], $0x2000  }
0x78: {  	(v2sf) =	vpush v9, $0x1;
	_ =	sdelay $0xe  }
0x79: {  	s31 =	spop (v2sf)  }
0x7a: {  	s2 =	sadd.s32 $0xFFFFFFFA, s30;
	p0 =	slt.s32 s31, $0xF4200  }
0x7b: {  	v11 =	vmov s2;
	s2 =	sand.u32 @p0 $0x7F, s31  }
0x7c: {  	v12 =	vor.u32 @p0 s2, v1;
	_ =	sdelay $0x1  }
0x7d: {  	v10 =	vand.u32 $0x79, v11;
	v11 =	vshll.u32 v11, $0x3  }
0x7e: {  	[sflag:s22] =	ssyncset.done $0x0;
	v11 =	vand.u32 @p0 $0xC00, v11  }
0x7f: {  	[sflag:s22] =	ssyncadd.s32 $0xFFFFE000;
	v10 =	vor.u32 @p0 v10, v11  }
0x80: {  	v11 =	vld.idx.msk @p0 [tilespmem:v12+s13+$0x0], $0xffff;
	v12 =	vor.u32 @p0 v2, v10  }
0x81: {  	v13 =	vor.u32 @p0 s2, v3;
	_ =	sdelay $0x3  }
0x82: {  	[tilespmem:v12+s21+$0x0] =	vst.idx.msk @p0 $0xffff, v11  }
0x83: {  	v12 =	vor.u32 @p0 v4, v10;
	v11 =	vld.idx.msk @p0 [tilespmem:v13+s13+$0x0], $0xffff  }
0x84: {  	v13 =	vor.u32 @p0 s2, v5;
	_ =	sdelay $0x3  }
0x85: {  	[tilespmem:v12+s21+$0x0] =	vst.idx.msk @p0 $0xffff, v11  }
0x86: {  	v12 =	vor.u32 @p0 v6, v10;
	v11 =	vld.idx.msk @p0 [tilespmem:v13+s13+$0x0], $0xffff  }
0x87: {  	v13 =	vor.u32 @p0 s2, v7;
	_ =	sdelay $0x3  }
0x88: {  	[tilespmem:v12+s21+$0x0] =	vst.idx.msk @p0 $0xffff, v11  }
0x89: {  	v11 =	vld.idx.msk @p0 [tilespmem:v13+s13+$0x0], $0xffff  }
0x8a: {  	s2 =	sadd.s32 @!p0 $0xFFF0BE00, s31  }
0x8b: {  	v12 =	vadd.s32 @!p0 s2, v1;
	_ =	sdelay $0x2  }
0x8c: {  	v11 =	vand.u32 @!p0 $0xC00, v11  }
0x8d: {  	v10 =	vor.u32 @!p0 v10, v11  }
0x8e: {  	v11 =	vld.idx.msk @!p0 [tilespmem:v12+s9+$0x0], $0xffff;
	v12 =	vor.u32 @!p0 v2, v10  }
0x8f: {  	v13 =	vadd.s32 @!p0 s2, v3;
	_ =	sdelay $0x2  }
0x90: {  	(v2sf) =	vpush v9, $0x9  }
0x91: {  	[tilespmem:v12+s21+$0x0] =	vst.idx.msk @!p0 $0xffff, v11  }
0x92: {  	v12 =	vor.u32 @!p0 v4, v10;
	v11 =	vld.idx.msk @!p0 [tilespmem:v13+s9+$0x0], $0xffff  }
0x93: {  	v13 =	vadd.s32 @!p0 s2, v5;
	_ =	sdelay $0x3  }
0x94: {  	[tilespmem:v12+s21+$0x0] =	vst.idx.msk @!p0 $0xffff, v11  }
0x95: {  	v12 =	vor.u32 @!p0 v6, v10;
	v11 =	vld.idx.msk @!p0 [tilespmem:v13+s9+$0x0], $0xffff  }
0x96: {  	v13 =	vadd.s32 @!p0 s2, v7;
	_ =	sdelay $0x3  }
0x97: {  	[tilespmem:v12+s21+$0x0] =	vst.idx.msk @!p0 $0xffff, v11  }
0x98: {  	v10 =	vor.u32 v8, v10;
	v11 =	vld.idx.msk @!p0 [tilespmem:v13+s9+$0x0], $0xffff  }
0x99: {  	s31 =	spop (v2sf)  }
0x9a: {  	s2 =	sshrl.u32 s31, $0x7  }
0x9b: {  	s2 =	smin.u32 s2, $0x1E83  }
0x9c: {  	s2 =	sshll.u32 s2, $0x7  }
0x9d: {  	s2 =	sadd.s32 s0, s2;
	[tilespmem:v10+s21+$0x0] =	vst.idx.msk $0xffff, v11  }
0x9e: {  	[tilespmem:s13], [sflag:$0x2] =	stream.strided.gather [hbm4b:s2+s11], $0x2000, s10, s11, $0x38;
	[tilespmem:$0x1A280] =	vst v63  }
0x9f: {  	_ =	swait.ge [sflag:s23], $0x2000  }
0xa0: {  	(v2sf) =	vpush v9, $0x2;
	_ =	sdelay $0xe  }
0xa1: {  	s31 =	spop (v2sf)  }
0xa2: {  	s2 =	sadd.s32 $0xFFFFFFFB, s30;
	p0 =	slt.s32 s31, $0xF4200  }
0xa3: {  	v11 =	vmov s2;
	s2 =	sand.u32 @p0 $0x7F, s31  }
0xa4: {  	v12 =	vor.u32 @p0 s2, v1;
	_ =	sdelay $0x1  }
0xa5: {  	v10 =	vand.u32 $0x7A, v11;
	v11 =	vshll.u32 v11, $0x3  }
0xa6: {  	[sflag:s23] =	ssyncset.done $0x0;
	v11 =	vand.u32 @p0 $0xC00, v11  }
0xa7: {  	[sflag:s23] =	ssyncadd.s32 $0xFFFFE000;
	v10 =	vor.u32 @p0 v10, v11  }
0xa8: {  	v11 =	vld.idx.msk @p0 [tilespmem:v12+s14+$0x0], $0xffff;
	v12 =	vor.u32 @p0 v2, v10  }
0xa9: {  	v13 =	vor.u32 @p0 s2, v3;
	_ =	sdelay $0x3  }
0xaa: {  	[tilespmem:v12+s21+$0x0] =	vst.idx.msk @p0 $0xffff, v11  }
0xab: {  	v12 =	vor.u32 @p0 v4, v10;
	v11 =	vld.idx.msk @p0 [tilespmem:v13+s14+$0x0], $0xffff  }
0xac: {  	v13 =	vor.u32 @p0 s2, v5;
	_ =	sdelay $0x3  }
0xad: {  	[tilespmem:v12+s21+$0x0] =	vst.idx.msk @p0 $0xffff, v11  }
0xae: {  	v12 =	vor.u32 @p0 v6, v10;
	v11 =	vld.idx.msk @p0 [tilespmem:v13+s14+$0x0], $0xffff  }
0xaf: {  	v13 =	vor.u32 @p0 s2, v7;
	_ =	sdelay $0x3  }
0xb0: {  	[tilespmem:v12+s21+$0x0] =	vst.idx.msk @p0 $0xffff, v11  }
0xb1: {  	v11 =	vld.idx.msk @p0 [tilespmem:v13+s14+$0x0], $0xffff  }
0xb2: {  	s2 =	sadd.s32 @!p0 $0xFFF0BE00, s31  }
0xb3: {  	v12 =	vadd.s32 @!p0 s2, v1;
	_ =	sdelay $0x2  }
0xb4: {  	v11 =	vand.u32 @!p0 $0xC00, v11  }
0xb5: {  	v10 =	vor.u32 @!p0 v10, v11  }
0xb6: {  	v11 =	vld.idx.msk @!p0 [tilespmem:v12+s9+$0x0], $0xffff;
	v12 =	vor.u32 @!p0 v2, v10  }
0xb7: {  	v13 =	vadd.s32 @!p0 s2, v3;
	_ =	sdelay $0x2  }
0xb8: {  	(v2sf) =	vpush v9, $0xA  }
0xb9: {  	[tilespmem:v12+s21+$0x0] =	vst.idx.msk @!p0 $0xffff, v11  }
0xba: {  	v12 =	vor.u32 @!p0 v4, v10;
	v11 =	vld.idx.msk @!p0 [tilespmem:v13+s9+$0x0], $0xffff  }
0xbb: {  	v13 =	vadd.s32 @!p0 s2, v5;
	_ =	sdelay $0x3  }
0xbc: {  	[tilespmem:v12+s21+$0x0] =	vst.idx.msk @!p0 $0xffff, v11  }
0xbd: {  	v12 =	vor.u32 @!p0 v6, v10;
	v11 =	vld.idx.msk @!p0 [tilespmem:v13+s9+$0x0], $0xffff  }
0xbe: {  	v13 =	vadd.s32 @!p0 s2, v7;
	_ =	sdelay $0x3  }
0xbf: {  	[tilespmem:v12+s21+$0x0] =	vst.idx.msk @!p0 $0xffff, v11  }
0xc0: {  	v10 =	vor.u32 v8, v10;
	v11 =	vld.idx.msk @!p0 [tilespmem:v13+s9+$0x0], $0xffff  }
0xc1: {  	s31 =	spop (v2sf)  }
0xc2: {  	s2 =	sshrl.u32 s31, $0x7  }
0xc3: {  	s2 =	smin.u32 s2, $0x1E83  }
0xc4: {  	s2 =	sshll.u32 s2, $0x7  }
0xc5: {  	s2 =	sadd.s32 s0, s2;
	[tilespmem:v10+s21+$0x0] =	vst.idx.msk $0xffff, v11  }
0xc6: {  	[tilespmem:s14], [sflag:$0x3] =	stream.strided.gather [hbm4b:s2+s11], $0x2000, s10, s11, $0x38;
	[tilespmem:$0x1A280] =	vst v63  }
0xc7: {  	_ =	swait.ge [sflag:s24], $0x2000  }
0xc8: {  	(v2sf) =	vpush v9, $0x3;
	_ =	sdelay $0xe  }
0xc9: {  	s31 =	spop (v2sf)  }
0xca: {  	s2 =	sadd.s32 $0xFFFFFFFC, s30;
	p0 =	slt.s32 s31, $0xF4200  }
0xcb: {  	v11 =	vmov s2;
	s2 =	sand.u32 @p0 $0x7F, s31  }
0xcc: {  	v12 =	vor.u32 @p0 s2, v1;
	_ =	sdelay $0x1  }
0xcd: {  	v10 =	vand.u32 $0x7B, v11;
	v11 =	vshll.u32 v11, $0x3  }
0xce: {  	[sflag:s24] =	ssyncset.done $0x0;
	v11 =	vand.u32 @p0 $0xC00, v11  }
0xcf: {  	[sflag:s24] =	ssyncadd.s32 $0xFFFFE000;
	v10 =	vor.u32 @p0 v10, v11  }
0xd0: {  	v11 =	vld.idx.msk @p0 [tilespmem:v12+s15+$0x0], $0xffff;
	v12 =	vor.u32 @p0 v2, v10  }
0xd1: {  	v13 =	vor.u32 @p0 s2, v3;
	_ =	sdelay $0x3  }
0xd2: {  	[tilespmem:v12+s21+$0x0] =	vst.idx.msk @p0 $0xffff, v11  }
0xd3: {  	v12 =	vor.u32 @p0 v4, v10;
	v11 =	vld.idx.msk @p0 [tilespmem:v13+s15+$0x0], $0xffff  }
0xd4: {  	v13 =	vor.u32 @p0 s2, v5;
	_ =	sdelay $0x3  }
0xd5: {  	[tilespmem:v12+s21+$0x0] =	vst.idx.msk @p0 $0xffff, v11  }
0xd6: {  	v12 =	vor.u32 @p0 v6, v10;
	v11 =	vld.idx.msk @p0 [tilespmem:v13+s15+$0x0], $0xffff  }
0xd7: {  	v13 =	vor.u32 @p0 s2, v7;
	_ =	sdelay $0x3  }
0xd8: {  	[tilespmem:v12+s21+$0x0] =	vst.idx.msk @p0 $0xffff, v11  }
0xd9: {  	v11 =	vld.idx.msk @p0 [tilespmem:v13+s15+$0x0], $0xffff  }
0xda: {  	s2 =	sadd.s32 @!p0 $0xFFF0BE00, s31  }
0xdb: {  	v12 =	vadd.s32 @!p0 s2, v1;
	_ =	sdelay $0x2  }
0xdc: {  	v11 =	vand.u32 @!p0 $0xC00, v11  }
0xdd: {  	v10 =	vor.u32 @!p0 v10, v11  }
0xde: {  	v11 =	vld.idx.msk @!p0 [tilespmem:v12+s9+$0x0], $0xffff;
	v12 =	vor.u32 @!p0 v2, v10  }
0xdf: {  	v13 =	vadd.s32 @!p0 s2, v3;
	_ =	sdelay $0x2  }
0xe0: {  	(v2sf) =	vpush v9, $0xB  }
0xe1: {  	[tilespmem:v12+s21+$0x0] =	vst.idx.msk @!p0 $0xffff, v11  }
0xe2: {  	v12 =	vor.u32 @!p0 v4, v10;
	v11 =	vld.idx.msk @!p0 [tilespmem:v13+s9+$0x0], $0xffff  }
0xe3: {  	v13 =	vadd.s32 @!p0 s2, v5;
	_ =	sdelay $0x3  }
0xe4: {  	[tilespmem:v12+s21+$0x0] =	vst.idx.msk @!p0 $0xffff, v11  }
0xe5: {  	v12 =	vor.u32 @!p0 v6, v10;
	v11 =	vld.idx.msk @!p0 [tilespmem:v13+s9+$0x0], $0xffff  }
0xe6: {  	v13 =	vadd.s32 @!p0 s2, v7;
	_ =	sdelay $0x3  }
0xe7: {  	[tilespmem:v12+s21+$0x0] =	vst.idx.msk @!p0 $0xffff, v11  }
0xe8: {  	v10 =	vor.u32 v8, v10;
	v11 =	vld.idx.msk @!p0 [tilespmem:v13+s9+$0x0], $0xffff  }
0xe9: {  	s31 =	spop (v2sf)  }
0xea: {  	s2 =	sshrl.u32 s31, $0x7  }
0xeb: {  	s2 =	smin.u32 s2, $0x1E83  }
0xec: {  	s2 =	sshll.u32 s2, $0x7  }
0xed: {  	s2 =	sadd.s32 s0, s2;
	[tilespmem:v10+s21+$0x0] =	vst.idx.msk $0xffff, v11  }
0xee: {  	[tilespmem:s15], [sflag:$0x4] =	stream.strided.gather [hbm4b:s2+s11], $0x2000, s10, s11, $0x38;
	[tilespmem:$0x1A280] =	vst v63  }
0xef: {  	_ =	swait.ge [sflag:s25], $0x2000  }
0xf0: {  	(v2sf) =	vpush v9, $0x4;
	_ =	sdelay $0xe  }
0xf1: {  	s31 =	spop (v2sf)  }
0xf2: {  	s2 =	sadd.s32 $0xFFFFFFFD, s30;
	p0 =	slt.s32 s31, $0xF4200  }
0xf3: {  	v11 =	vmov s2;
	s2 =	sand.u32 @p0 $0x7F, s31  }
0xf4: {  	v12 =	vor.u32 @p0 s2, v1;
	_ =	sdelay $0x1  }
0xf5: {  	v10 =	vand.u32 $0x7C, v11;
	v11 =	vshll.u32 v11, $0x3  }
0xf6: {  	[sflag:s25] =	ssyncset.done $0x0;
	v11 =	vand.u32 @p0 $0xC00, v11  }
0xf7: {  	[sflag:s25] =	ssyncadd.s32 $0xFFFFE000;
	v10 =	vor.u32 @p0 v10, v11  }
0xf8: {  	v11 =	vld.idx.msk @p0 [tilespmem:v12+s16+$0x0], $0xffff;
	v12 =	vor.u32 @p0 v2, v10  }
0xf9: {  	v13 =	vor.u32 @p0 s2, v3;
	_ =	sdelay $0x3  }
0xfa: {  	[tilespmem:v12+s21+$0x0] =	vst.idx.msk @p0 $0xffff, v11  }
0xfb: {  	v12 =	vor.u32 @p0 v4, v10;
	v11 =	vld.idx.msk @p0 [tilespmem:v13+s16+$0x0], $0xffff  }
0xfc: {  	v13 =	vor.u32 @p0 s2, v5;
	_ =	sdelay $0x3  }
0xfd: {  	[tilespmem:v12+s21+$0x0] =	vst.idx.msk @p0 $0xffff, v11  }
0xfe: {  	v12 =	vor.u32 @p0 v6, v10;
	v11 =	vld.idx.msk @p0 [tilespmem:v13+s16+$0x0], $0xffff  }
0xff: {  	v13 =	vor.u32 @p0 s2, v7;
	_ =	sdelay $0x3  }
0x100: {  	[tilespmem:v12+s21+$0x0] =	vst.idx.msk @p0 $0xffff, v11  }
0x101: {  	v11 =	vld.idx.msk @p0 [tilespmem:v13+s16+$0x0], $0xffff  }
0x102: {  	s2 =	sadd.s32 @!p0 $0xFFF0BE00, s31  }
0x103: {  	v12 =	vadd.s32 @!p0 s2, v1;
	_ =	sdelay $0x2  }
0x104: {  	v11 =	vand.u32 @!p0 $0xC00, v11  }
0x105: {  	v10 =	vor.u32 @!p0 v10, v11  }
0x106: {  	v11 =	vld.idx.msk @!p0 [tilespmem:v12+s9+$0x0], $0xffff;
	v12 =	vor.u32 @!p0 v2, v10  }
0x107: {  	v13 =	vadd.s32 @!p0 s2, v3;
	_ =	sdelay $0x2  }
0x108: {  	(v2sf) =	vpush v9, $0xC  }
0x109: {  	[tilespmem:v12+s21+$0x0] =	vst.idx.msk @!p0 $0xffff, v11  }
0x10a: {  	v12 =	vor.u32 @!p0 v4, v10;
	v11 =	vld.idx.msk @!p0 [tilespmem:v13+s9+$0x0], $0xffff  }
0x10b: {  	v13 =	vadd.s32 @!p0 s2, v5;
	_ =	sdelay $0x3  }
0x10c: {  	[tilespmem:v12+s21+$0x0] =	vst.idx.msk @!p0 $0xffff, v11  }
0x10d: {  	v12 =	vor.u32 @!p0 v6, v10;
	v11 =	vld.idx.msk @!p0 [tilespmem:v13+s9+$0x0], $0xffff  }
0x10e: {  	v13 =	vadd.s32 @!p0 s2, v7;
	_ =	sdelay $0x3  }
0x10f: {  	[tilespmem:v12+s21+$0x0] =	vst.idx.msk @!p0 $0xffff, v11  }
0x110: {  	v10 =	vor.u32 v8, v10;
	v11 =	vld.idx.msk @!p0 [tilespmem:v13+s9+$0x0], $0xffff  }
0x111: {  	s31 =	spop (v2sf)  }
0x112: {  	s2 =	sshrl.u32 s31, $0x7  }
0x113: {  	s2 =	smin.u32 s2, $0x1E83  }
0x114: {  	s2 =	sshll.u32 s2, $0x7  }
0x115: {  	s2 =	sadd.s32 s0, s2;
	[tilespmem:v10+s21+$0x0] =	vst.idx.msk $0xffff, v11  }
0x116: {  	[tilespmem:s16], [sflag:$0x5] =	stream.strided.gather [hbm4b:s2+s11], $0x2000, s10, s11, $0x38;
	[tilespmem:$0x1A280] =	vst v63  }
0x117: {  	_ =	swait.ge [sflag:s26], $0x2000  }
0x118: {  	(v2sf) =	vpush v9, $0x5;
	_ =	sdelay $0xe  }
0x119: {  	s31 =	spop (v2sf)  }
0x11a: {  	s2 =	sadd.s32 $0xFFFFFFFE, s30;
	p0 =	slt.s32 s31, $0xF4200  }
0x11b: {  	v11 =	vmov s2;
	s2 =	sand.u32 @p0 $0x7F, s31  }
0x11c: {  	v12 =	vor.u32 @p0 s2, v1;
	_ =	sdelay $0x1  }
0x11d: {  	v10 =	vand.u32 $0x7D, v11;
	v11 =	vshll.u32 v11, $0x3  }
0x11e: {  	[sflag:s26] =	ssyncset.done $0x0;
	v11 =	vand.u32 @p0 $0xC00, v11  }
0x11f: {  	[sflag:s26] =	ssyncadd.s32 $0xFFFFE000;
	v10 =	vor.u32 @p0 v10, v11  }
0x120: {  	v11 =	vld.idx.msk @p0 [tilespmem:v12+s17+$0x0], $0xffff;
	v12 =	vor.u32 @p0 v2, v10  }
0x121: {  	v13 =	vor.u32 @p0 s2, v3;
	_ =	sdelay $0x3  }
0x122: {  	[tilespmem:v12+s21+$0x0] =	vst.idx.msk @p0 $0xffff, v11  }
0x123: {  	v12 =	vor.u32 @p0 v4, v10;
	v11 =	vld.idx.msk @p0 [tilespmem:v13+s17+$0x0], $0xffff  }
0x124: {  	v13 =	vor.u32 @p0 s2, v5;
	_ =	sdelay $0x3  }
0x125: {  	[tilespmem:v12+s21+$0x0] =	vst.idx.msk @p0 $0xffff, v11  }
0x126: {  	v12 =	vor.u32 @p0 v6, v10;
	v11 =	vld.idx.msk @p0 [tilespmem:v13+s17+$0x0], $0xffff  }
0x127: {  	v13 =	vor.u32 @p0 s2, v7;
	_ =	sdelay $0x3  }
0x128: {  	[tilespmem:v12+s21+$0x0] =	vst.idx.msk @p0 $0xffff, v11  }
0x129: {  	v11 =	vld.idx.msk @p0 [tilespmem:v13+s17+$0x0], $0xffff  }
0x12a: {  	s2 =	sadd.s32 @!p0 $0xFFF0BE00, s31  }
0x12b: {  	v12 =	vadd.s32 @!p0 s2, v1;
	_ =	sdelay $0x2  }
0x12c: {  	v11 =	vand.u32 @!p0 $0xC00, v11  }
0x12d: {  	v10 =	vor.u32 @!p0 v10, v11  }
0x12e: {  	v11 =	vld.idx.msk @!p0 [tilespmem:v12+s9+$0x0], $0xffff;
	v12 =	vor.u32 @!p0 v2, v10  }
0x12f: {  	v13 =	vadd.s32 @!p0 s2, v3;
	_ =	sdelay $0x2  }
0x130: {  	(v2sf) =	vpush v9, $0xD  }
0x131: {  	[tilespmem:v12+s21+$0x0] =	vst.idx.msk @!p0 $0xffff, v11  }
0x132: {  	v12 =	vor.u32 @!p0 v4, v10;
	v11 =	vld.idx.msk @!p0 [tilespmem:v13+s9+$0x0], $0xffff  }
0x133: {  	v13 =	vadd.s32 @!p0 s2, v5;
	_ =	sdelay $0x3  }
0x134: {  	[tilespmem:v12+s21+$0x0] =	vst.idx.msk @!p0 $0xffff, v11  }
0x135: {  	v12 =	vor.u32 @!p0 v6, v10;
	v11 =	vld.idx.msk @!p0 [tilespmem:v13+s9+$0x0], $0xffff  }
0x136: {  	v13 =	vadd.s32 @!p0 s2, v7;
	_ =	sdelay $0x3  }
0x137: {  	[tilespmem:v12+s21+$0x0] =	vst.idx.msk @!p0 $0xffff, v11  }
0x138: {  	v10 =	vor.u32 v8, v10;
	v11 =	vld.idx.msk @!p0 [tilespmem:v13+s9+$0x0], $0xffff  }
0x139: {  	s31 =	spop (v2sf)  }
0x13a: {  	s2 =	sshrl.u32 s31, $0x7  }
0x13b: {  	s2 =	smin.u32 s2, $0x1E83  }
0x13c: {  	s2 =	sshll.u32 s2, $0x7  }
0x13d: {  	s2 =	sadd.s32 s0, s2;
	[tilespmem:v10+s21+$0x0] =	vst.idx.msk $0xffff, v11  }
0x13e: {  	[tilespmem:s17], [sflag:$0x6] =	stream.strided.gather [hbm4b:s2+s11], $0x2000, s10, s11, $0x38;
	[tilespmem:$0x1A280] =	vst v63  }
0x13f: {  	_ =	swait.ge [sflag:s28], $0x2000  }
0x140: {  	(v2sf) =	vpush v9, $0x6;
	_ =	sdelay $0xe  }
0x141: {  	s31 =	spop (v2sf)  }
0x142: {  	s2 =	sadd.s32 $0xFFFFFFFF, s30;
	p0 =	slt.s32 s31, $0xF4200  }
0x143: {  	v11 =	vmov s2;
	s2 =	sand.u32 @p0 $0x7F, s31  }
0x144: {  	v12 =	vor.u32 @p0 s2, v1;
	_ =	sdelay $0x1  }
0x145: {  	v10 =	vand.u32 $0x7E, v11;
	v11 =	vshll.u32 v11, $0x3  }
0x146: {  	[sflag:s28] =	ssyncset.done $0x0;
	v11 =	vand.u32 @p0 $0xC00, v11  }
0x147: {  	[sflag:s28] =	ssyncadd.s32 $0xFFFFE000;
	v10 =	vor.u32 @p0 v10, v11  }
0x148: {  	v11 =	vld.idx.msk @p0 [tilespmem:v12+s18+$0x0], $0xffff;
	v12 =	vor.u32 @p0 v2, v10  }
0x149: {  	v13 =	vor.u32 @p0 s2, v3;
	_ =	sdelay $0x3  }
0x14a: {  	[tilespmem:v12+s21+$0x0] =	vst.idx.msk @p0 $0xffff, v11  }
0x14b: {  	v12 =	vor.u32 @p0 v4, v10;
	v11 =	vld.idx.msk @p0 [tilespmem:v13+s18+$0x0], $0xffff  }
0x14c: {  	v13 =	vor.u32 @p0 s2, v5;
	_ =	sdelay $0x3  }
0x14d: {  	[tilespmem:v12+s21+$0x0] =	vst.idx.msk @p0 $0xffff, v11  }
0x14e: {  	v12 =	vor.u32 @p0 v6, v10;
	v11 =	vld.idx.msk @p0 [tilespmem:v13+s18+$0x0], $0xffff  }
0x14f: {  	v13 =	vor.u32 @p0 s2, v7;
	_ =	sdelay $0x3  }
0x150: {  	[tilespmem:v12+s21+$0x0] =	vst.idx.msk @p0 $0xffff, v11  }
0x151: {  	v11 =	vld.idx.msk @p0 [tilespmem:v13+s18+$0x0], $0xffff  }
0x152: {  	s2 =	sadd.s32 @!p0 $0xFFF0BE00, s31  }
0x153: {  	v12 =	vadd.s32 @!p0 s2, v1;
	_ =	sdelay $0x2  }
0x154: {  	v11 =	vand.u32 @!p0 $0xC00, v11  }
0x155: {  	v10 =	vor.u32 @!p0 v10, v11  }
0x156: {  	v11 =	vld.idx.msk @!p0 [tilespmem:v12+s9+$0x0], $0xffff;
	v12 =	vor.u32 @!p0 v2, v10  }
0x157: {  	v13 =	vadd.s32 @!p0 s2, v3;
	_ =	sdelay $0x2  }
0x158: {  	(v2sf) =	vpush v9, $0xE  }
0x159: {  	[tilespmem:v12+s21+$0x0] =	vst.idx.msk @!p0 $0xffff, v11  }
0x15a: {  	v12 =	vor.u32 @!p0 v4, v10;
	v11 =	vld.idx.msk @!p0 [tilespmem:v13+s9+$0x0], $0xffff  }
0x15b: {  	v13 =	vadd.s32 @!p0 s2, v5;
	_ =	sdelay $0x3  }
0x15c: {  	[tilespmem:v12+s21+$0x0] =	vst.idx.msk @!p0 $0xffff, v11  }
0x15d: {  	v12 =	vor.u32 @!p0 v6, v10;
	v11 =	vld.idx.msk @!p0 [tilespmem:v13+s9+$0x0], $0xffff  }
0x15e: {  	v13 =	vadd.s32 @!p0 s2, v7;
	_ =	sdelay $0x3  }
0x15f: {  	[tilespmem:v12+s21+$0x0] =	vst.idx.msk @!p0 $0xffff, v11  }
0x160: {  	v10 =	vor.u32 v8, v10;
	v11 =	vld.idx.msk @!p0 [tilespmem:v13+s9+$0x0], $0xffff  }
0x161: {  	s31 =	spop (v2sf)  }
0x162: {  	s2 =	sshrl.u32 s31, $0x7  }
0x163: {  	s2 =	smin.u32 s2, $0x1E83  }
0x164: {  	s2 =	sshll.u32 s2, $0x7  }
0x165: {  	s2 =	sadd.s32 s0, s2;
	[tilespmem:v10+s21+$0x0] =	vst.idx.msk $0xffff, v11  }
0x166: {  	[tilespmem:s18], [sflag:$0x7] =	stream.strided.gather [hbm4b:s2+s11], $0x2000, s10, s11, $0x38;
	[tilespmem:$0x1A280] =	vst v63  }
0x167: {  	_ =	swait.ge [sflag:s29], $0x2000  }
0x168: {  	(v2sf) =	vpush v9, $0x7;
	_ =	sdelay $0xe  }
0x169: {  	s31 =	spop (v2sf)  }
0x16a: {  	p0 =	slt.s32 s31, $0xF4200  }
0x16b: {  	s2 =	sand.u32 @p0 $0x7F, s31  }
0x16c: {  	v12 =	vor.u32 @p0 s2, v1  }
0x16d: {  	v11 =	vmov s30  }
0x16e: {  	v10 =	vand.u32 $0x7F, v11;
	v11 =	vshll.u32 v11, $0x3  }
0x16f: {  	[sflag:s29] =	ssyncset.done $0x0;
	v11 =	vand.u32 @p0 $0xC00, v11  }
0x170: {  	[sflag:s29] =	ssyncadd.s32 $0xFFFFE000;
	v10 =	vor.u32 @p0 v10, v11  }
0x171: {  	v11 =	vld.idx.msk @p0 [tilespmem:v12+s19+$0x0], $0xffff;
	v12 =	vor.u32 @p0 v2, v10  }
0x172: {  	v13 =	vor.u32 @p0 s2, v3;
	_ =	sdelay $0x3  }
0x173: {  	[tilespmem:v12+s21+$0x0] =	vst.idx.msk @p0 $0xffff, v11  }
0x174: {  	v12 =	vor.u32 @p0 v4, v10;
	v11 =	vld.idx.msk @p0 [tilespmem:v13+s19+$0x0], $0xffff  }
0x175: {  	v13 =	vor.u32 @p0 s2, v5;
	_ =	sdelay $0x3  }
0x176: {  	[tilespmem:v12+s21+$0x0] =	vst.idx.msk @p0 $0xffff, v11  }
0x177: {  	v12 =	vor.u32 @p0 v6, v10;
	v11 =	vld.idx.msk @p0 [tilespmem:v13+s19+$0x0], $0xffff  }
0x178: {  	v13 =	vor.u32 @p0 s2, v7;
	_ =	sdelay $0x3  }
0x179: {  	[tilespmem:v12+s21+$0x0] =	vst.idx.msk @p0 $0xffff, v11  }
0x17a: {  	v11 =	vld.idx.msk @p0 [tilespmem:v13+s19+$0x0], $0xffff  }
0x17b: {  	s2 =	sadd.s32 @!p0 $0xFFF0BE00, s31  }
0x17c: {  	v12 =	vadd.s32 @!p0 s2, v1;
	_ =	sdelay $0x2  }
0x17d: {  	v11 =	vand.u32 @!p0 $0xC00, v11  }
0x17e: {  	v10 =	vor.u32 @!p0 v10, v11  }
0x17f: {  	v11 =	vld.idx.msk @!p0 [tilespmem:v12+s9+$0x0], $0xffff;
	v12 =	vor.u32 @!p0 v2, v10  }
0x180: {  	v13 =	vadd.s32 @!p0 s2, v3;
	_ =	sdelay $0x2  }
0x181: {  	(v2sf) =	vpush v9, $0xF  }
0x182: {  	[tilespmem:v12+s21+$0x0] =	vst.idx.msk @!p0 $0xffff, v11  }
0x183: {  	v12 =	vor.u32 @!p0 v4, v10;
	v11 =	vld.idx.msk @!p0 [tilespmem:v13+s9+$0x0], $0xffff  }
0x184: {  	v13 =	vadd.s32 @!p0 s2, v5;
	_ =	sdelay $0x3  }
0x185: {  	[tilespmem:v12+s21+$0x0] =	vst.idx.msk @!p0 $0xffff, v11  }
0x186: {  	v12 =	vor.u32 @!p0 v6, v10;
	v11 =	vld.idx.msk @!p0 [tilespmem:v13+s9+$0x0], $0xffff  }
0x187: {  	v13 =	vadd.s32 @!p0 s2, v7;
	_ =	sdelay $0x3  }
0x188: {  	[tilespmem:v12+s21+$0x0] =	vst.idx.msk @!p0 $0xffff, v11  }
0x189: {  	s30 =	sadd.s32 $0x8, s30;
	v9 =	vor.u32 v8, v10;
	v11 =	vld.idx.msk @!p0 [tilespmem:v13+s9+$0x0], $0xffff  }
0x18a: {  	s31 =	spop (v2sf);
	p0 =	sne.s32 s30, $0x207  }
.Ltmp0:
0x18b: {  	s2 =	sshrl.u32 s31, $0x7;
	(pc) =	sbr.rel @p0 .LBB2_2-.Ltmp0, $4  }
0x18c: {  	s2 =	smin.u32 s2, $0x1E83  }
0x18d: {  	s2 =	sshll.u32 s2, $0x7  }
0x18e: {  	s3 =	sadd.s32 $0x8, s3;
	s2 =	sadd.s32 s0, s2;
	[tilespmem:v9+s21+$0x0] =	vst.idx.msk $0xffff, v11  }
0x18f: {  	[tilespmem:s19], [sflag:$0x8] =	stream.strided.gather [hbm4b:s2+s11], $0x2000, s10, s11, $0x38;
	[tilespmem:$0x1A280] =	vst v63  }
0x190: {  	_ =	swait.ge [sflag:s20], $0x2000  }
0x191: {  	[sflag:s20] =	ssyncset.done $0x0  }
0x192: {  	[sflag:s20] =	ssyncadd.s32 $0xFFFFE000  }
0x193: {  	_ =	swait.ge [sflag:s22], $0x2000  }
0x194: {  	[sflag:s22] =	ssyncset.done $0x0  }
0x195: {  	[sflag:s22] =	ssyncadd.s32 $0xFFFFE000  }
0x196: {  	_ =	swait.ge [sflag:s23], $0x2000  }
0x197: {  	[sflag:s23] =	ssyncset.done $0x0  }
0x198: {  	[sflag:s23] =	ssyncadd.s32 $0xFFFFE000  }
0x199: {  	_ =	swait.ge [sflag:s24], $0x2000  }
0x19a: {  	[sflag:s24] =	ssyncset.done $0x0  }
0x19b: {  	[sflag:s24] =	ssyncadd.s32 $0xFFFFE000  }
0x19c: {  	_ =	swait.ge [sflag:s25], $0x2000  }
0x19d: {  	[sflag:s25] =	ssyncset.done $0x0  }
0x19e: {  	[sflag:s25] =	ssyncadd.s32 $0xFFFFE000  }
0x19f: {  	_ =	swait.ge [sflag:s26], $0x2000  }
0x1a0: {  	[sflag:s26] =	ssyncset.done $0x0  }
0x1a1: {  	[sflag:s26] =	ssyncadd.s32 $0xFFFFE000  }
0x1a2: {  	_ =	swait.ge [sflag:s28], $0x2000  }
0x1a3: {  	[sflag:s28] =	ssyncset.done $0x0  }
0x1a4: {  	[sflag:s28] =	ssyncadd.s32 $0xFFFFE000  }
0x1a5: {  	s1 =	sadd.s32 $0x1, s1;
	_ =	swait.ge [sflag:s29], $0x2000  }
0x1a6: {  	s2 =	simm.s32 $0x1000;
	p0 =	sne.s32 s1, s8;
	[sflag:s29] =	ssyncset.done $0x0  }
.Ltmp1:
0x1a7: {  	s3 =	simm.s32 $0x20000;
	[sflag:s29] =	ssyncadd.s32 $0xFFFFE000;
	(pc) =	sbr.rel @p0 .LBB2_1-.Ltmp1, $4  }
0x1a8: {  	[hbm4b:s6+s2] =	stream.strided.scatter [tilespmem:s21], [sflag:$0x9], $0x8000, s3, s2, $0x38;
	[tilespmem:$0x1A280] =	vst v63  }
0x1a9: {  	_ =	swait.ge [sflag:s7], $0x8000  }
0x1aa: {  	[sflag:s7] =	ssyncset.done $0x0  }
0x1ab: {  	[sflag:s7] =	ssyncadd.s32 $0xFFFF8000  }
0x1ac: {  	_ =	sfence.sel $0x180000  }
0x1ad: {  	[bflag:$0x0] =	sbarrier.arrive $0xFFFF  }
0x1ae: {  	_ =	strace $0x90000047  }
0x1af: {  	s0 =	stileid.u32;
	[bflag:$0x2] =	sbarrier.arrive $0xFFFF  }
0x1b0: {  	p0 =	sne.s32 s0, $0x0;
	s0 =	rddreg [dreg:$0x4]  }
0x1b1: {  	s0 =	sadd.s32 @!p0 $0x100000, s0  }
0x1b2: {  	[sflag:s0] =	ssyncadd.tile.s32 @!p0 $0x1;
	_ =	shalt  }
.Lfunc_end2:
_tile_overlayer_lowered:
.L_overlay_start_2:
0x1b3: {  	(tag) =	ssettag $0x2  }
0x1b4: {  	s0 =	rddreg [dreg:$0x0];
	s2 =	stileid.u32  }
0x1b5: {  	s1 =	rddreg [dreg:$0x1];
	p0 =	sne.s32 s2, $0x0  }
0x1b6: {  	s3 =	rddreg [dreg:$0x2];
	[bflag:$0x3] =	sbarrier.arrive $0xFFFF;
	s2 =	simm.s32 @!p0 $0x1C09  }
0x1b7: {  	[timem:s3], [sflag:s2] =	dma.local @!p0 [hbm:s0], s1  }
0x1b8: {  	s0 =	simm.s32 @!p0 $0x9  }
0x1b9: {  	_ =	swait.ge @!p0 [sflag:s0], s1  }
0x1ba: {  	s1 =	ssub.s32 @!p0 $0x0, s1;
	[sflag:s0] =	ssyncset.done @!p0 $0x0  }
0x1bb: {  	[sflag:s0] =	ssyncadd.s32 @!p0 s1  }
0x1bc: {  	[bflag:$0x3] =	sbarrier.arrive $0xFFFF  }
0x1bd: {  	_ =	shalt  }

</sc_bundles>
